<compile_context>
chip_gen: v7x
topology: tpu7x:2x2x1
jax: 0.10.2.dev20260603
libtpu: 0.0.44.dev20260713+nightly
codegen_flags: <defaults>
</compile_context>

<pallas_src>
import functools

import jax
import jax.numpy as jnp
from jax import lax
from jax.experimental import pallas as pl
from jax.experimental.pallas import tpu as pltpu
from jax.experimental.pallas import tpu_sc as plsc

LANES = 16
GCHUNK = 128
NBUF = 4


@functools.cache
def _build(batch, seq, vocab, model_dim):
    info = plsc.get_sparse_core_info()
    nw = info.num_cores * info.num_subcores
    assert batch % (nw * NBUF) == 0
    seq_per_w = batch // nw
    n_outer = seq_per_w // NBUF
    n_vecs = model_dim // LANES
    tail = seq - GCHUNK

    mesh = plsc.VectorSubcoreMesh(core_axis_name="c", subcore_axis_name="s")

    @functools.partial(
        pl.kernel,
        out_type=jax.ShapeDtypeStruct((batch, seq, model_dim), jnp.float32),
        mesh=mesh,
        scratch_types=[
            pltpu.VMEM((seq, model_dim), jnp.float32),
            pltpu.VMEM((seq_per_w, seq), jnp.int32),
            pltpu.VMEM((NBUF, seq, model_dim), jnp.float32),
            pltpu.VMEM((NBUF, seq, model_dim), jnp.float32),
            pltpu.SemaphoreType.DMA((NBUF,)),
            pltpu.SemaphoreType.DMA((NBUF,)),
        ],
        compiler_params=pltpu.CompilerParams(use_tc_tiling_on_sc=False),
    )
    def embed(idx_hbm, table_hbm, pos_hbm, out_hbm,
              pos_v, idx_v, rows_v, out_v, gsem, osem):
        wid = lax.axis_index("s") * info.num_cores + lax.axis_index("c")
        base = wid * seq_per_w
        pltpu.sync_copy(pos_hbm, pos_v)
        pltpu.sync_copy(idx_hbm.at[pl.ds(base, seq_per_w)], idx_v)

        def fire_gather(s, b):
            pltpu.async_copy(table_hbm.at[idx_v.at[s, pl.ds(0, GCHUNK)]],
                             rows_v.at[b, pl.ds(0, GCHUNK)], gsem.at[b])
            pltpu.async_copy(table_hbm.at[idx_v.at[s, pl.ds(GCHUNK, tail)]],
                             rows_v.at[b, pl.ds(GCHUNK, tail)], gsem.at[b])

        def wait_gather(s, b):
            pltpu.make_async_copy(
                table_hbm.at[idx_v.at[s, pl.ds(0, GCHUNK)]],
                rows_v.at[b, pl.ds(0, GCHUNK)], gsem.at[b]).wait()
            pltpu.make_async_copy(
                table_hbm.at[idx_v.at[s, pl.ds(GCHUNK, tail)]],
                rows_v.at[b, pl.ds(GCHUNK, tail)], gsem.at[b]).wait()

        for b in range(NBUF):
            fire_gather(b, b)

        def outer(cc, _):
            for b in range(NBUF):
                s = cc * NBUF + b
                wait_gather(s, b)

                @pl.when(cc > 0)
                def _():
                    pltpu.make_async_copy(
                        out_v.at[b], out_hbm.at[base], osem.at[b]).wait()

                def row_body(r, _):
                    for j in range(n_vecs):
                        sl = pl.ds(j * LANES, LANES)
                        out_v[b, r, sl] = rows_v[b, r, sl] * 8.0 + pos_v[r, sl]
                    return 0

                lax.fori_loop(0, seq, row_body, 0)

                @pl.when(cc < n_outer - 1)
                def _():
                    fire_gather(s + NBUF, b)

                pltpu.async_copy(out_v.at[b], out_hbm.at[base + s],
                                 osem.at[b])
            return 0

        lax.fori_loop(0, n_outer, outer, 0)
        for b in range(NBUF):
            pltpu.make_async_copy(
                out_v.at[b], out_hbm.at[base], osem.at[b]).wait()

    return embed


def kernel(inp, table, pos_encoding):
    batch, seq = inp.shape
    vocab, model_dim = table.shape
    pos2d = pos_encoding[0, :seq, :]
    embed = _build(batch, seq, vocab, model_dim)
    return embed(inp, table, pos2d)

# --- scband reference (transcript-rebuilt; emitter-appended) ---
"""Pipeline reference for scband-input-embed-16363825398416 (READ-ONLY COPY).

The authoritative reference and input builder live on the scoring server;
editing this copy changes nothing except your own understanding.
"""

import jax, jax.numpy as jnp
import numpy as np

VOCAB = 1000000
MODEL_DIM = 64
MAX_POS = 2048
BATCH = 1024
SEQ = 200

def _positional_encoding(position, model_dim):
    pos = np.arange(position)[:, np.newaxis]
    i = np.arange(model_dim)[np.newaxis, :]
    angle_rates = 1 / np.power(10000, 2 * (i // 2) / np.float32(model_dim))
    angle_rads = pos * angle_rates
    angle_rads[:, 0::2] = np.sin(angle_rads[:, 0::2])
    angle_rads[:, 1::2] = np.cos(angle_rads[:, 1::2])
    return jnp.asarray(angle_rads[np.newaxis, ...], dtype=jnp.float32)

def setup_inputs(seed: int = 0) -> dict:
    key = jax.random.key(seed)
    k1, k2 = jax.random.split(key)
    inp = jax.random.randint(k1, (BATCH, SEQ), 0, VOCAB, dtype=jnp.int32)
    # Keras Embedding default init is uniform(-0.05, 0.05)
    table = jax.random.uniform(k2, (VOCAB, MODEL_DIM), dtype=jnp.float32, minval=-0.05, maxval=0.05)
    pos_encoding = _positional_encoding(MAX_POS, MODEL_DIM)
    return {"inp": inp, "table": table, "pos_encoding": pos_encoding}

def reference(inp, table, pos_encoding):
    # inference mode: dropout is identity (training=False)
    seq_len = inp.shape[1]
    x = jnp.take(table, inp, axis=0)  # gather -> SparseCore embedding lookup
    x = x * jnp.sqrt(jnp.asarray(MODEL_DIM, dtype=jnp.float32))
    x = x + pos_encoding[:, :seq_len, :]
    return x

if __name__ == "__main__":
    import jax
    _d = setup_inputs()
    print(jax.jit(kernel)(*tuple(_d.values())))

</pallas_src>

<mosaic_0001>
#map = affine_map<(d0, d1) -> (0, 0)>
#map1 = affine_map<(d0, d1) -> (0, 0, 0)>
module attributes {stable_mosaic.version = 14 : i64} {
  func.func @embed(%arg0: i32, %arg1: i32, %arg2: memref<1024x200xi32, #tpu.memory_space<hbm>>, %arg3: memref<1000000x64xf32, #tpu.memory_space<hbm>>, %arg4: memref<200x64xf32, #tpu.memory_space<hbm>>, %arg5: memref<1024x200x64xf32, #tpu.memory_space<hbm>>, %arg6: memref<200x64xf32, #tpu.memory_space<vmem>>, %arg7: memref<32x200xi32, #tpu.memory_space<vmem>>, %arg8: memref<4x200x64xf32, #tpu.memory_space<vmem>>, %arg9: memref<4x200x64xf32, #tpu.memory_space<vmem>>, %arg10: memref<4x!tpu.dma_semaphore, #tpu.memory_space<semaphore_mem>>, %arg11: memref<4x!tpu.dma_semaphore, #tpu.memory_space<semaphore_mem>>) attributes {dimension_semantics = [#tpu.dimension_semantics<core_parallel>, #tpu.dimension_semantics<subcore_parallel>], iteration_bounds = array<i64: 2, 16>, scalar_prefetch = 0 : i64, scratch_operands = 6 : i64, tpu.core_type = #tpu.core_type<sc_vector_subcore>, window_params = [{transform_indices = #map}, {transform_indices = #map}, {transform_indices = #map}, {transform_indices = #map1}]} {
    %mul3A = arith.constant 2 : i32
    %mul3A_0 = arith.muli %arg1, %mul3A : i32
    %add3A = arith.addi %mul3A_0, %arg0 : i32
    %mul3A_1 = arith.constant 32 : i32
    %mul3A_2 = arith.muli %add3A, %mul3A_1 : i32
    "tpu.region"() ({
      %run_scoped3A = tpu.sem_alloc : memref<!tpu.dma_semaphore, #tpu.memory_space<semaphore_mem>>
      tpu.enqueue_dma source(%arg4 : memref<200x64xf32, #tpu.memory_space<hbm>>) target(%arg6 : memref<200x64xf32, #tpu.memory_space<vmem>>) target_semaphore(%run_scoped3A : memref<!tpu.dma_semaphore, #tpu.memory_space<semaphore_mem>>)
      tpu.wait_dma2 semaphore(%run_scoped3A : memref<!tpu.dma_semaphore, #tpu.memory_space<semaphore_mem>>) src(%arg4 : memref<200x64xf32, #tpu.memory_space<hbm>>) dst(%arg6 : memref<200x64xf32, #tpu.memory_space<vmem>>)
      tpu.yield
    }) : () -> ()
    "tpu.region"() ({
      %run_scoped3A = tpu.sem_alloc : memref<!tpu.dma_semaphore, #tpu.memory_space<semaphore_mem>>
      %dma_start3A_207 = arith.constant 0 : i32
      %dma_start3A_208 = tpu.memref_slice %arg2[%mul3A_2, %dma_start3A_207] : memref<1024x200xi32, #tpu.memory_space<hbm>> -> memref<32x200xi32, #tpu.memory_space<hbm>>
      %dma_start3A_209 = arith.constant 0 : i32
      %dma_start3A_210 = tpu.memref_slice %arg2[%mul3A_2, %dma_start3A_209] : memref<1024x200xi32, #tpu.memory_space<hbm>> -> memref<32x200xi32, #tpu.memory_space<hbm>>
      tpu.enqueue_dma source(%dma_start3A_210 : memref<32x200xi32, #tpu.memory_space<hbm>>) target(%arg7 : memref<32x200xi32, #tpu.memory_space<vmem>>) target_semaphore(%run_scoped3A : memref<!tpu.dma_semaphore, #tpu.memory_space<semaphore_mem>>)
      %dma_wait3A_211 = arith.constant 0 : i32
      %dma_wait3A_212 = tpu.memref_slice %arg2[%mul3A_2, %dma_wait3A_211] : memref<1024x200xi32, #tpu.memory_space<hbm>> -> memref<32x200xi32, #tpu.memory_space<hbm>>
      %dma_wait3A_213 = arith.constant 0 : i32
      %dma_wait3A_214 = tpu.memref_slice %arg2[%mul3A_2, %dma_wait3A_213] : memref<1024x200xi32, #tpu.memory_space<hbm>> -> memref<32x200xi32, #tpu.memory_space<hbm>>
      tpu.wait_dma2 semaphore(%run_scoped3A : memref<!tpu.dma_semaphore, #tpu.memory_space<semaphore_mem>>) src(%dma_wait3A_214 : memref<32x200xi32, #tpu.memory_space<hbm>>) dst(%arg7 : memref<32x200xi32, #tpu.memory_space<vmem>>)
      tpu.yield
    }) : () -> ()
    %dma_start3A = arith.constant 0 : i32
    %dma_start3A_3 = arith.constant 0 : i32
    %dma_start3A_4 = arith.constant 0 : i32
    %dma_start3A_5 = arith.constant 0 : i32
    %dma_start3A_6 = arith.constant 0 : i32
    %dma_start3A_7 = tpu.memref_slice %arg8[%dma_start3A_3, %dma_start3A_5, %dma_start3A_6] : memref<4x200x64xf32, #tpu.memory_space<vmem>> -> memref<1x128x64xf32, #tpu.memory_space<vmem>>
    %dma_start3A_8 = tpu.memref_squeeze %dma_start3A_7 : memref<1x128x64xf32, #tpu.memory_space<vmem>> -> memref<128x64xf32, #tpu.memory_space<vmem>>
    %dma_start3A_9 = arith.constant 0 : i32
    %dma_start3A_10 = tpu.memref_slice %arg7[%dma_start3A, %dma_start3A_9] : memref<32x200xi32, #tpu.memory_space<vmem>> -> memref<1x128xi32, #tpu.memory_space<vmem>>
    %dma_start3A_11 = tpu.memref_squeeze %dma_start3A_10 : memref<1x128xi32, #tpu.memory_space<vmem>> -> memref<128xi32, #tpu.memory_space<vmem>>
    %dma_start3A_12 = arith.constant 0 : i32
    %dma_start3A_13 = arith.constant 0 : i32
    %dma_start3A_14 = tpu.memref_slice %arg3[%dma_start3A_12, %dma_start3A_13] : memref<1000000x64xf32, #tpu.memory_space<hbm>> -> memref<1000000x64xf32, #tpu.memory_space<hbm>>
    %dma_start3A_15 = tpu.memref_slice %arg10[%dma_start3A_4] : memref<4x!tpu.dma_semaphore, #tpu.memory_space<semaphore_mem>> -> memref<1x!tpu.dma_semaphore, #tpu.memory_space<semaphore_mem>>
    %dma_start3A_16 = tpu.memref_squeeze %dma_start3A_15 : memref<1x!tpu.dma_semaphore, #tpu.memory_space<semaphore_mem>> -> memref<!tpu.dma_semaphore, #tpu.memory_space<semaphore_mem>>
    tpu.enqueue_indirect_dma source(%dma_start3A_14 : memref<1000000x64xf32, #tpu.memory_space<hbm>>) target(%dma_start3A_8 : memref<128x64xf32, #tpu.memory_space<vmem>>) offsets(%dma_start3A_11 : memref<128xi32, #tpu.memory_space<vmem>>) semaphore(%dma_start3A_16 : memref<!tpu.dma_semaphore, #tpu.memory_space<semaphore_mem>>)
    %dma_start3A_17 = arith.constant 0 : i32
    %dma_start3A_18 = arith.constant 0 : i32
    %dma_start3A_19 = arith.constant 0 : i32
    %dma_start3A_20 = arith.constant 128 : i32
    %dma_start3A_21 = arith.constant 0 : i32
    %dma_start3A_22 = tpu.memref_slice %arg8[%dma_start3A_18, %dma_start3A_20, %dma_start3A_21] : memref<4x200x64xf32, #tpu.memory_space<vmem>> -> memref<1x72x64xf32, #tpu.memory_space<vmem>>
    %dma_start3A_23 = tpu.memref_squeeze %dma_start3A_22 : memref<1x72x64xf32, #tpu.memory_space<vmem>> -> memref<72x64xf32, #tpu.memory_space<vmem>>
    %dma_start3A_24 = arith.constant 128 : i32
    %dma_start3A_25 = tpu.memref_slice %arg7[%dma_start3A_17, %dma_start3A_24] : memref<32x200xi32, #tpu.memory_space<vmem>> -> memref<1x72xi32, #tpu.memory_space<vmem>>
    %dma_start3A_26 = tpu.memref_squeeze %dma_start3A_25 : memref<1x72xi32, #tpu.memory_space<vmem>> -> memref<72xi32, #tpu.memory_space<vmem>>
    %dma_start3A_27 = arith.constant 0 : i32
    %dma_start3A_28 = arith.constant 0 : i32
    %dma_start3A_29 = tpu.memref_slice %arg3[%dma_start3A_27, %dma_start3A_28] : memref<1000000x64xf32, #tpu.memory_space<hbm>> -> memref<1000000x64xf32, #tpu.memory_space<hbm>>
    %dma_start3A_30 = tpu.memref_slice %arg10[%dma_start3A_19] : memref<4x!tpu.dma_semaphore, #tpu.memory_space<semaphore_mem>> -> memref<1x!tpu.dma_semaphore, #tpu.memory_space<semaphore_mem>>
    %dma_start3A_31 = tpu.memref_squeeze %dma_start3A_30 : memref<1x!tpu.dma_semaphore, #tpu.memory_space<semaphore_mem>> -> memref<!tpu.dma_semaphore, #tpu.memory_space<semaphore_mem>>
    tpu.enqueue_indirect_dma source(%dma_start3A_29 : memref<1000000x64xf32, #tpu.memory_space<hbm>>) target(%dma_start3A_23 : memref<72x64xf32, #tpu.memory_space<vmem>>) offsets(%dma_start3A_26 : memref<72xi32, #tpu.memory_space<vmem>>) semaphore(%dma_start3A_31 : memref<!tpu.dma_semaphore, #tpu.memory_space<semaphore_mem>>)
    %dma_start3A_32 = arith.constant 1 : i32
    %dma_start3A_33 = arith.constant 1 : i32
    %dma_start3A_34 = arith.constant 1 : i32
    %dma_start3A_35 = arith.constant 0 : i32
    %dma_start3A_36 = arith.constant 0 : i32
    %dma_start3A_37 = tpu.memref_slice %arg8[%dma_start3A_33, %dma_start3A_35, %dma_start3A_36] : memref<4x200x64xf32, #tpu.memory_space<vmem>> -> memref<1x128x64xf32, #tpu.memory_space<vmem>>
    %dma_start3A_38 = tpu.memref_squeeze %dma_start3A_37 : memref<1x128x64xf32, #tpu.memory_space<vmem>> -> memref<128x64xf32, #tpu.memory_space<vmem>>
    %dma_start3A_39 = arith.constant 0 : i32
    %dma_start3A_40 = tpu.memref_slice %arg7[%dma_start3A_32, %dma_start3A_39] : memref<32x200xi32, #tpu.memory_space<vmem>> -> memref<1x128xi32, #tpu.memory_space<vmem>>
    %dma_start3A_41 = tpu.memref_squeeze %dma_start3A_40 : memref<1x128xi32, #tpu.memory_space<vmem>> -> memref<128xi32, #tpu.memory_space<vmem>>
    %dma_start3A_42 = arith.constant 0 : i32
    %dma_start3A_43 = arith.constant 0 : i32
    %dma_start3A_44 = tpu.memref_slice %arg3[%dma_start3A_42, %dma_start3A_43] : memref<1000000x64xf32, #tpu.memory_space<hbm>> -> memref<1000000x64xf32, #tpu.memory_space<hbm>>
    %dma_start3A_45 = tpu.memref_slice %arg10[%dma_start3A_34] : memref<4x!tpu.dma_semaphore, #tpu.memory_space<semaphore_mem>> -> memref<1x!tpu.dma_semaphore, #tpu.memory_space<semaphore_mem>>
    %dma_start3A_46 = tpu.memref_squeeze %dma_start3A_45 : memref<1x!tpu.dma_semaphore, #tpu.memory_space<semaphore_mem>> -> memref<!tpu.dma_semaphore, #tpu.memory_space<semaphore_mem>>
    tpu.enqueue_indirect_dma source(%dma_start3A_44 : memref<1000000x64xf32, #tpu.memory_space<hbm>>) target(%dma_start3A_38 : memref<128x64xf32, #tpu.memory_space<vmem>>) offsets(%dma_start3A_41 : memref<128xi32, #tpu.memory_space<vmem>>) semaphore(%dma_start3A_46 : memref<!tpu.dma_semaphore, #tpu.memory_space<semaphore_mem>>)
    %dma_start3A_47 = arith.constant 1 : i32
    %dma_start3A_48 = arith.constant 1 : i32
    %dma_start3A_49 = arith.constant 1 : i32
    %dma_start3A_50 = arith.constant 128 : i32
    %dma_start3A_51 = arith.constant 0 : i32
    %dma_start3A_52 = tpu.memref_slice %arg8[%dma_start3A_48, %dma_start3A_50, %dma_start3A_51] : memref<4x200x64xf32, #tpu.memory_space<vmem>> -> memref<1x72x64xf32, #tpu.memory_space<vmem>>
    %dma_start3A_53 = tpu.memref_squeeze %dma_start3A_52 : memref<1x72x64xf32, #tpu.memory_space<vmem>> -> memref<72x64xf32, #tpu.memory_space<vmem>>
    %dma_start3A_54 = arith.constant 128 : i32
    %dma_start3A_55 = tpu.memref_slice %arg7[%dma_start3A_47, %dma_start3A_54] : memref<32x200xi32, #tpu.memory_space<vmem>> -> memref<1x72xi32, #tpu.memory_space<vmem>>
    %dma_start3A_56 = tpu.memref_squeeze %dma_start3A_55 : memref<1x72xi32, #tpu.memory_space<vmem>> -> memref<72xi32, #tpu.memory_space<vmem>>
    %dma_start3A_57 = arith.constant 0 : i32
    %dma_start3A_58 = arith.constant 0 : i32
    %dma_start3A_59 = tpu.memref_slice %arg3[%dma_start3A_57, %dma_start3A_58] : memref<1000000x64xf32, #tpu.memory_space<hbm>> -> memref<1000000x64xf32, #tpu.memory_space<hbm>>
    %dma_start3A_60 = tpu.memref_slice %arg10[%dma_start3A_49] : memref<4x!tpu.dma_semaphore, #tpu.memory_space<semaphore_mem>> -> memref<1x!tpu.dma_semaphore, #tpu.memory_space<semaphore_mem>>
    %dma_start3A_61 = tpu.memref_squeeze %dma_start3A_60 : memref<1x!tpu.dma_semaphore, #tpu.memory_space<semaphore_mem>> -> memref<!tpu.dma_semaphore, #tpu.memory_space<semaphore_mem>>
    tpu.enqueue_indirect_dma source(%dma_start3A_59 : memref<1000000x64xf32, #tpu.memory_space<hbm>>) target(%dma_start3A_53 : memref<72x64xf32, #tpu.memory_space<vmem>>) offsets(%dma_start3A_56 : memref<72xi32, #tpu.memory_space<vmem>>) semaphore(%dma_start3A_61 : memref<!tpu.dma_semaphore, #tpu.memory_space<semaphore_mem>>)
    %dma_start3A_62 = arith.constant 2 : i32
    %dma_start3A_63 = arith.constant 2 : i32
    %dma_start3A_64 = arith.constant 2 : i32
    %dma_start3A_65 = arith.constant 0 : i32
    %dma_start3A_66 = arith.constant 0 : i32
    %dma_start3A_67 = tpu.memref_slice %arg8[%dma_start3A_63, %dma_start3A_65, %dma_start3A_66] : memref<4x200x64xf32, #tpu.memory_space<vmem>> -> memref<1x128x64xf32, #tpu.memory_space<vmem>>
    %dma_start3A_68 = tpu.memref_squeeze %dma_start3A_67 : memref<1x128x64xf32, #tpu.memory_space<vmem>> -> memref<128x64xf32, #tpu.memory_space<vmem>>
    %dma_start3A_69 = arith.constant 0 : i32
    %dma_start3A_70 = tpu.memref_slice %arg7[%dma_start3A_62, %dma_start3A_69] : memref<32x200xi32, #tpu.memory_space<vmem>> -> memref<1x128xi32, #tpu.memory_space<vmem>>
    %dma_start3A_71 = tpu.memref_squeeze %dma_start3A_70 : memref<1x128xi32, #tpu.memory_space<vmem>> -> memref<128xi32, #tpu.memory_space<vmem>>
    %dma_start3A_72 = arith.constant 0 : i32
    %dma_start3A_73 = arith.constant 0 : i32
    %dma_start3A_74 = tpu.memref_slice %arg3[%dma_start3A_72, %dma_start3A_73] : memref<1000000x64xf32, #tpu.memory_space<hbm>> -> memref<1000000x64xf32, #tpu.memory_space<hbm>>
    %dma_start3A_75 = tpu.memref_slice %arg10[%dma_start3A_64] : memref<4x!tpu.dma_semaphore, #tpu.memory_space<semaphore_mem>> -> memref<1x!tpu.dma_semaphore, #tpu.memory_space<semaphore_mem>>
    %dma_start3A_76 = tpu.memref_squeeze %dma_start3A_75 : memref<1x!tpu.dma_semaphore, #tpu.memory_space<semaphore_mem>> -> memref<!tpu.dma_semaphore, #tpu.memory_space<semaphore_mem>>
    tpu.enqueue_indirect_dma source(%dma_start3A_74 : memref<1000000x64xf32, #tpu.memory_space<hbm>>) target(%dma_start3A_68 : memref<128x64xf32, #tpu.memory_space<vmem>>) offsets(%dma_start3A_71 : memref<128xi32, #tpu.memory_space<vmem>>) semaphore(%dma_start3A_76 : memref<!tpu.dma_semaphore, #tpu.memory_space<semaphore_mem>>)
    %dma_start3A_77 = arith.constant 2 : i32
    %dma_start3A_78 = arith.constant 2 : i32
    %dma_start3A_79 = arith.constant 2 : i32
    %dma_start3A_80 = arith.constant 128 : i32
    %dma_start3A_81 = arith.constant 0 : i32
    %dma_start3A_82 = tpu.memref_slice %arg8[%dma_start3A_78, %dma_start3A_80, %dma_start3A_81] : memref<4x200x64xf32, #tpu.memory_space<vmem>> -> memref<1x72x64xf32, #tpu.memory_space<vmem>>
    %dma_start3A_83 = tpu.memref_squeeze %dma_start3A_82 : memref<1x72x64xf32, #tpu.memory_space<vmem>> -> memref<72x64xf32, #tpu.memory_space<vmem>>
    %dma_start3A_84 = arith.constant 128 : i32
    %dma_start3A_85 = tpu.memref_slice %arg7[%dma_start3A_77, %dma_start3A_84] : memref<32x200xi32, #tpu.memory_space<vmem>> -> memref<1x72xi32, #tpu.memory_space<vmem>>
    %dma_start3A_86 = tpu.memref_squeeze %dma_start3A_85 : memref<1x72xi32, #tpu.memory_space<vmem>> -> memref<72xi32, #tpu.memory_space<vmem>>
    %dma_start3A_87 = arith.constant 0 : i32
    %dma_start3A_88 = arith.constant 0 : i32
    %dma_start3A_89 = tpu.memref_slice %arg3[%dma_start3A_87, %dma_start3A_88] : memref<1000000x64xf32, #tpu.memory_space<hbm>> -> memref<1000000x64xf32, #tpu.memory_space<hbm>>
    %dma_start3A_90 = tpu.memref_slice %arg10[%dma_start3A_79] : memref<4x!tpu.dma_semaphore, #tpu.memory_space<semaphore_mem>> -> memref<1x!tpu.dma_semaphore, #tpu.memory_space<semaphore_mem>>
    %dma_start3A_91 = tpu.memref_squeeze %dma_start3A_90 : memref<1x!tpu.dma_semaphore, #tpu.memory_space<semaphore_mem>> -> memref<!tpu.dma_semaphore, #tpu.memory_space<semaphore_mem>>
    tpu.enqueue_indirect_dma source(%dma_start3A_89 : memref<1000000x64xf32, #tpu.memory_space<hbm>>) target(%dma_start3A_83 : memref<72x64xf32, #tpu.memory_space<vmem>>) offsets(%dma_start3A_86 : memref<72xi32, #tpu.memory_space<vmem>>) semaphore(%dma_start3A_91 : memref<!tpu.dma_semaphore, #tpu.memory_space<semaphore_mem>>)
    %dma_start3A_92 = arith.constant 3 : i32
    %dma_start3A_93 = arith.constant 3 : i32
    %dma_start3A_94 = arith.constant 3 : i32
    %dma_start3A_95 = arith.constant 0 : i32
    %dma_start3A_96 = arith.constant 0 : i32
    %dma_start3A_97 = tpu.memref_slice %arg8[%dma_start3A_93, %dma_start3A_95, %dma_start3A_96] : memref<4x200x64xf32, #tpu.memory_space<vmem>> -> memref<1x128x64xf32, #tpu.memory_space<vmem>>
    %dma_start3A_98 = tpu.memref_squeeze %dma_start3A_97 : memref<1x128x64xf32, #tpu.memory_space<vmem>> -> memref<128x64xf32, #tpu.memory_space<vmem>>
    %dma_start3A_99 = arith.constant 0 : i32
    %dma_start3A_100 = tpu.memref_slice %arg7[%dma_start3A_92, %dma_start3A_99] : memref<32x200xi32, #tpu.memory_space<vmem>> -> memref<1x128xi32, #tpu.memory_space<vmem>>
    %dma_start3A_101 = tpu.memref_squeeze %dma_start3A_100 : memref<1x128xi32, #tpu.memory_space<vmem>> -> memref<128xi32, #tpu.memory_space<vmem>>
    %dma_start3A_102 = arith.constant 0 : i32
    %dma_start3A_103 = arith.constant 0 : i32
    %dma_start3A_104 = tpu.memref_slice %arg3[%dma_start3A_102, %dma_start3A_103] : memref<1000000x64xf32, #tpu.memory_space<hbm>> -> memref<1000000x64xf32, #tpu.memory_space<hbm>>
    %dma_start3A_105 = tpu.memref_slice %arg10[%dma_start3A_94] : memref<4x!tpu.dma_semaphore, #tpu.memory_space<semaphore_mem>> -> memref<1x!tpu.dma_semaphore, #tpu.memory_space<semaphore_mem>>
    %dma_start3A_106 = tpu.memref_squeeze %dma_start3A_105 : memref<1x!tpu.dma_semaphore, #tpu.memory_space<semaphore_mem>> -> memref<!tpu.dma_semaphore, #tpu.memory_space<semaphore_mem>>
    tpu.enqueue_indirect_dma source(%dma_start3A_104 : memref<1000000x64xf32, #tpu.memory_space<hbm>>) target(%dma_start3A_98 : memref<128x64xf32, #tpu.memory_space<vmem>>) offsets(%dma_start3A_101 : memref<128xi32, #tpu.memory_space<vmem>>) semaphore(%dma_start3A_106 : memref<!tpu.dma_semaphore, #tpu.memory_space<semaphore_mem>>)
    %dma_start3A_107 = arith.constant 3 : i32
    %dma_start3A_108 = arith.constant 3 : i32
    %dma_start3A_109 = arith.constant 3 : i32
    %dma_start3A_110 = arith.constant 128 : i32
    %dma_start3A_111 = arith.constant 0 : i32
    %dma_start3A_112 = tpu.memref_slice %arg8[%dma_start3A_108, %dma_start3A_110, %dma_start3A_111] : memref<4x200x64xf32, #tpu.memory_space<vmem>> -> memref<1x72x64xf32, #tpu.memory_space<vmem>>
    %dma_start3A_113 = tpu.memref_squeeze %dma_start3A_112 : memref<1x72x64xf32, #tpu.memory_space<vmem>> -> memref<72x64xf32, #tpu.memory_space<vmem>>
    %dma_start3A_114 = arith.constant 128 : i32
    %dma_start3A_115 = tpu.memref_slice %arg7[%dma_start3A_107, %dma_start3A_114] : memref<32x200xi32, #tpu.memory_space<vmem>> -> memref<1x72xi32, #tpu.memory_space<vmem>>
    %dma_start3A_116 = tpu.memref_squeeze %dma_start3A_115 : memref<1x72xi32, #tpu.memory_space<vmem>> -> memref<72xi32, #tpu.memory_space<vmem>>
    %dma_start3A_117 = arith.constant 0 : i32
    %dma_start3A_118 = arith.constant 0 : i32
    %dma_start3A_119 = tpu.memref_slice %arg3[%dma_start3A_117, %dma_start3A_118] : memref<1000000x64xf32, #tpu.memory_space<hbm>> -> memref<1000000x64xf32, #tpu.memory_space<hbm>>
    %dma_start3A_120 = tpu.memref_slice %arg10[%dma_start3A_109] : memref<4x!tpu.dma_semaphore, #tpu.memory_space<semaphore_mem>> -> memref<1x!tpu.dma_semaphore, #tpu.memory_space<semaphore_mem>>
    %dma_start3A_121 = tpu.memref_squeeze %dma_start3A_120 : memref<1x!tpu.dma_semaphore, #tpu.memory_space<semaphore_mem>> -> memref<!tpu.dma_semaphore, #tpu.memory_space<semaphore_mem>>
    tpu.enqueue_indirect_dma source(%dma_start3A_119 : memref<1000000x64xf32, #tpu.memory_space<hbm>>) target(%dma_start3A_113 : memref<72x64xf32, #tpu.memory_space<vmem>>) offsets(%dma_start3A_116 : memref<72xi32, #tpu.memory_space<vmem>>) semaphore(%dma_start3A_121 : memref<!tpu.dma_semaphore, #tpu.memory_space<semaphore_mem>>)
    %scan3A = arith.constant 0 : i32
    %scan3A_122 = arith.constant 0 : i32
    %scan3A_123 = arith.constant 8 : i32
    %scan3A_124 = arith.addi %scan3A_122, %scan3A_123 : i32
    %scan3A_125 = arith.constant 1 : i32
    %scan3A_126 = scf.for %scan3A_207 = %scan3A_122 to %scan3A_124 step %scan3A_125 iter_args(%scan3A_208 = %scan3A) -> (i32)  : i32 {
      %mul3A_209 = arith.constant 4 : i32
      %mul3A_210 = arith.muli %scan3A_207, %mul3A_209 : i32
      %add3A_211 = arith.constant 0 : i32
      %add3A_212 = arith.addi %mul3A_210, %add3A_211 : i32
      %dma_wait3A_213 = arith.constant 0 : i32
      %dma_wait3A_214 = arith.constant 0 : i32
      %dma_wait3A_215 = arith.constant 0 : i32
      %dma_wait3A_216 = arith.constant 0 : i32
      %dma_wait3A_217 = tpu.memref_slice %arg8[%dma_wait3A_213, %dma_wait3A_215, %dma_wait3A_216] : memref<4x200x64xf32, #tpu.memory_space<vmem>> -> memref<1x128x64xf32, #tpu.memory_space<vmem>>
      %dma_wait3A_218 = tpu.memref_squeeze %dma_wait3A_217 : memref<1x128x64xf32, #tpu.memory_space<vmem>> -> memref<128x64xf32, #tpu.memory_space<vmem>>
      %dma_wait3A_219 = arith.constant 0 : i32
      %dma_wait3A_220 = tpu.memref_slice %arg7[%add3A_212, %dma_wait3A_219] : memref<32x200xi32, #tpu.memory_space<vmem>> -> memref<1x128xi32, #tpu.memory_space<vmem>>
      %dma_wait3A_221 = tpu.memref_squeeze %dma_wait3A_220 : memref<1x128xi32, #tpu.memory_space<vmem>> -> memref<128xi32, #tpu.memory_space<vmem>>
      %dma_wait3A_222 = arith.constant 0 : i32
      %dma_wait3A_223 = arith.constant 0 : i32
      %dma_wait3A_224 = tpu.memref_slice %arg3[%dma_wait3A_222, %dma_wait3A_223] : memref<1000000x64xf32, #tpu.memory_space<hbm>> -> memref<1000000x64xf32, #tpu.memory_space<hbm>>
      %dma_wait3A_225 = tpu.memref_slice %arg10[%dma_wait3A_214] : memref<4x!tpu.dma_semaphore, #tpu.memory_space<semaphore_mem>> -> memref<1x!tpu.dma_semaphore, #tpu.memory_space<semaphore_mem>>
      %dma_wait3A_226 = tpu.memref_squeeze %dma_wait3A_225 : memref<1x!tpu.dma_semaphore, #tpu.memory_space<semaphore_mem>> -> memref<!tpu.dma_semaphore, #tpu.memory_space<semaphore_mem>>
      tpu.wait_indirect_dma semaphore(%dma_wait3A_226 : memref<!tpu.dma_semaphore, #tpu.memory_space<semaphore_mem>>) src(%dma_wait3A_224 : memref<1000000x64xf32, #tpu.memory_space<hbm>>) dst(%dma_wait3A_218 : memref<128x64xf32, #tpu.memory_space<vmem>>)
      %dma_wait3A_227 = arith.constant 0 : i32
      %dma_wait3A_228 = arith.constant 0 : i32
      %dma_wait3A_229 = arith.constant 128 : i32
      %dma_wait3A_230 = arith.constant 0 : i32
      %dma_wait3A_231 = tpu.memref_slice %arg8[%dma_wait3A_227, %dma_wait3A_229, %dma_wait3A_230] : memref<4x200x64xf32, #tpu.memory_space<vmem>> -> memref<1x72x64xf32, #tpu.memory_space<vmem>>
      %dma_wait3A_232 = tpu.memref_squeeze %dma_wait3A_231 : memref<1x72x64xf32, #tpu.memory_space<vmem>> -> memref<72x64xf32, #tpu.memory_space<vmem>>
      %dma_wait3A_233 = arith.constant 128 : i32
      %dma_wait3A_234 = tpu.memref_slice %arg7[%add3A_212, %dma_wait3A_233] : memref<32x200xi32, #tpu.memory_space<vmem>> -> memref<1x72xi32, #tpu.memory_space<vmem>>
      %dma_wait3A_235 = tpu.memref_squeeze %dma_wait3A_234 : memref<1x72xi32, #tpu.memory_space<vmem>> -> memref<72xi32, #tpu.memory_space<vmem>>
      %dma_wait3A_236 = arith.constant 0 : i32
      %dma_wait3A_237 = arith.constant 0 : i32
      %dma_wait3A_238 = tpu.memref_slice %arg3[%dma_wait3A_236, %dma_wait3A_237] : memref<1000000x64xf32, #tpu.memory_space<hbm>> -> memref<1000000x64xf32, #tpu.memory_space<hbm>>
      %dma_wait3A_239 = tpu.memref_slice %arg10[%dma_wait3A_228] : memref<4x!tpu.dma_semaphore, #tpu.memory_space<semaphore_mem>> -> memref<1x!tpu.dma_semaphore, #tpu.memory_space<semaphore_mem>>
      %dma_wait3A_240 = tpu.memref_squeeze %dma_wait3A_239 : memref<1x!tpu.dma_semaphore, #tpu.memory_space<semaphore_mem>> -> memref<!tpu.dma_semaphore, #tpu.memory_space<semaphore_mem>>
      tpu.wait_indirect_dma semaphore(%dma_wait3A_240 : memref<!tpu.dma_semaphore, #tpu.memory_space<semaphore_mem>>) src(%dma_wait3A_238 : memref<1000000x64xf32, #tpu.memory_space<hbm>>) dst(%dma_wait3A_232 : memref<72x64xf32, #tpu.memory_space<vmem>>)
      %gt3A = arith.constant 0 : i32
      %gt3A_241 = arith.cmpi sgt, %scan3A_207, %gt3A : i32
      %convert_element_type3A = arith.extui %gt3A_241 : i1 to i32
      %cond3A = arith.constant 0 : i32
      %cond3A_242 = arith.cmpi ne, %convert_element_type3A, %cond3A : i32
      scf.if %cond3A_242 {
        %dma_wait3A_486 = arith.constant 0 : i32
        %dma_wait3A_487 = arith.constant 0 : i32
        %dma_wait3A_488 = arith.constant 0 : i32
        %dma_wait3A_489 = arith.constant 0 : i32
        %dma_wait3A_490 = tpu.memref_slice %arg9[%dma_wait3A_486, %dma_wait3A_488, %dma_wait3A_489] : memref<4x200x64xf32, #tpu.memory_space<vmem>> -> memref<1x200x64xf32, #tpu.memory_space<vmem>>
        %dma_wait3A_491 = tpu.memref_squeeze %dma_wait3A_490 : memref<1x200x64xf32, #tpu.memory_space<vmem>> -> memref<200x64xf32, #tpu.memory_space<vmem>>
        %dma_wait3A_492 = arith.constant 0 : i32
        %dma_wait3A_493 = arith.constant 0 : i32
        %dma_wait3A_494 = tpu.memref_slice %arg5[%mul3A_2, %dma_wait3A_492, %dma_wait3A_493] : memref<1024x200x64xf32, #tpu.memory_space<hbm>> -> memref<1x200x64xf32, #tpu.memory_space<hbm>>
        %dma_wait3A_495 = tpu.memref_squeeze %dma_wait3A_494 : memref<1x200x64xf32, #tpu.memory_space<hbm>> -> memref<200x64xf32, #tpu.memory_space<hbm>>
        %dma_wait3A_496 = tpu.memref_slice %arg11[%dma_wait3A_487] : memref<4x!tpu.dma_semaphore, #tpu.memory_space<semaphore_mem>> -> memref<1x!tpu.dma_semaphore, #tpu.memory_space<semaphore_mem>>
        %dma_wait3A_497 = tpu.memref_squeeze %dma_wait3A_496 : memref<1x!tpu.dma_semaphore, #tpu.memory_space<semaphore_mem>> -> memref<!tpu.dma_semaphore, #tpu.memory_space<semaphore_mem>>
        %dma_wait3A_498 = arith.constant 0 : i32
        %dma_wait3A_499 = arith.constant 0 : i32
        %dma_wait3A_500 = tpu.memref_slice %arg5[%mul3A_2, %dma_wait3A_498, %dma_wait3A_499] : memref<1024x200x64xf32, #tpu.memory_space<hbm>> -> memref<1x200x64xf32, #tpu.memory_space<hbm>>
        %dma_wait3A_501 = tpu.memref_squeeze %dma_wait3A_500 : memref<1x200x64xf32, #tpu.memory_space<hbm>> -> memref<200x64xf32, #tpu.memory_space<hbm>>
        %dma_wait3A_502 = arith.constant 0 : i32
        %dma_wait3A_503 = arith.constant 0 : i32
        %dma_wait3A_504 = tpu.memref_slice %arg9[%dma_wait3A_486, %dma_wait3A_502, %dma_wait3A_503] : memref<4x200x64xf32, #tpu.memory_space<vmem>> -> memref<1x200x64xf32, #tpu.memory_space<vmem>>
        %dma_wait3A_505 = tpu.memref_squeeze %dma_wait3A_504 : memref<1x200x64xf32, #tpu.memory_space<vmem>> -> memref<200x64xf32, #tpu.memory_space<vmem>>
        tpu.wait_dma2 semaphore(%dma_wait3A_497 : memref<!tpu.dma_semaphore, #tpu.memory_space<semaphore_mem>>) src(%dma_wait3A_505 : memref<200x64xf32, #tpu.memory_space<vmem>>) dst(%dma_wait3A_501 : memref<200x64xf32, #tpu.memory_space<hbm>>)
      } else {
      }
      %scan3A_243 = arith.constant 0 : i32
      %scan3A_244 = arith.constant 0 : i32
      %scan3A_245 = arith.constant 200 : i32
      %scan3A_246 = arith.addi %scan3A_244, %scan3A_245 : i32
      %scan3A_247 = arith.constant 1 : i32
      %scan3A_248 = scf.for %scan3A_486 = %scan3A_244 to %scan3A_246 step %scan3A_247 iter_args(%scan3A_487 = %scan3A_243) -> (i32)  : i32 {
        %get3A = arith.constant 0 : i32
        %get3A_488 = arith.index_cast %get3A : i32 to index
        %get3A_489 = arith.index_cast %scan3A_486 : i32 to index
        %get3A_490 = arith.constant 0 : index
        %get3A_491 = tpu.vector_load %arg8[%get3A_488, %get3A_489, %get3A_490] {strides = array<i32>} : memref<4x200x64xf32, #tpu.memory_space<vmem>>, vector<1x1x16xf32>,
        %get3A_492 = vector.shape_cast %get3A_491 : vector<1x1x16xf32> to vector<16xf32>
        %mul3A_493 = arith.constant 8.000000e+00 : f32
        %mul3A_494 = vector.broadcast %mul3A_493 : f32 to vector<16xf32>
        %mul3A_495 = arith.mulf %get3A_492, %mul3A_494 : vector<16xf32>
        %get3A_496 = arith.index_cast %scan3A_486 : i32 to index
        %get3A_497 = arith.constant 0 : index
        %get3A_498 = tpu.vector_load %arg6[%get3A_496, %get3A_497] {strides = array<i32>} : memref<200x64xf32, #tpu.memory_space<vmem>>, vector<1x16xf32>,
        %get3A_499 = vector.shape_cast %get3A_498 : vector<1x16xf32> to vector<16xf32>
        %add3A_500 = arith.addf %mul3A_495, %get3A_499 : vector<16xf32>
        %swap3A = arith.constant 0 : i32
        %swap3A_501 = arith.index_cast %swap3A : i32 to index
        %swap3A_502 = arith.index_cast %scan3A_486 : i32 to index
        %swap3A_503 = arith.constant 0 : index
        %swap3A_504 = tpu.vector_load %arg9[%swap3A_501, %swap3A_502, %swap3A_503] {strides = array<i32>} : memref<4x200x64xf32, #tpu.memory_space<vmem>>, vector<1x1x16xf32>,
        %swap3A_505 = vector.shape_cast %swap3A_504 : vector<1x1x16xf32> to vector<16xf32>
        %swap3A_506 = vector.shape_cast %add3A_500 : vector<16xf32> to vector<1x1x16xf32>
        tpu.vector_store %arg9[%swap3A_501, %swap3A_502, %swap3A_503], %swap3A_506 {strides = array<i32>} : memref<4x200x64xf32, #tpu.memory_space<vmem>>, vector<1x1x16xf32>,
        %get3A_507 = arith.constant 0 : i32
        %get3A_508 = arith.index_cast %get3A_507 : i32 to index
        %get3A_509 = arith.index_cast %scan3A_486 : i32 to index
        %get3A_510 = arith.constant 16 : index
        %get3A_511 = tpu.vector_load %arg8[%get3A_508, %get3A_509, %get3A_510] {strides = array<i32>} : memref<4x200x64xf32, #tpu.memory_space<vmem>>, vector<1x1x16xf32>,
        %get3A_512 = vector.shape_cast %get3A_511 : vector<1x1x16xf32> to vector<16xf32>
        %mul3A_513 = arith.constant 8.000000e+00 : f32
        %mul3A_514 = vector.broadcast %mul3A_513 : f32 to vector<16xf32>
        %mul3A_515 = arith.mulf %get3A_512, %mul3A_514 : vector<16xf32>
        %get3A_516 = arith.index_cast %scan3A_486 : i32 to index
        %get3A_517 = arith.constant 16 : index
        %get3A_518 = tpu.vector_load %arg6[%get3A_516, %get3A_517] {strides = array<i32>} : memref<200x64xf32, #tpu.memory_space<vmem>>, vector<1x16xf32>,
        %get3A_519 = vector.shape_cast %get3A_518 : vector<1x16xf32> to vector<16xf32>
        %add3A_520 = arith.addf %mul3A_515, %get3A_519 : vector<16xf32>
        %swap3A_521 = arith.constant 0 : i32
        %swap3A_522 = arith.index_cast %swap3A_521 : i32 to index
        %swap3A_523 = arith.index_cast %scan3A_486 : i32 to index
        %swap3A_524 = arith.constant 16 : index
        %swap3A_525 = tpu.vector_load %arg9[%swap3A_522, %swap3A_523, %swap3A_524] {strides = array<i32>} : memref<4x200x64xf32, #tpu.memory_space<vmem>>, vector<1x1x16xf32>,
        %swap3A_526 = vector.shape_cast %swap3A_525 : vector<1x1x16xf32> to vector<16xf32>
        %swap3A_527 = vector.shape_cast %add3A_520 : vector<16xf32> to vector<1x1x16xf32>
        tpu.vector_store %arg9[%swap3A_522, %swap3A_523, %swap3A_524], %swap3A_527 {strides = array<i32>} : memref<4x200x64xf32, #tpu.memory_space<vmem>>, vector<1x1x16xf32>,
        %get3A_528 = arith.constant 0 : i32
        %get3A_529 = arith.index_cast %get3A_528 : i32 to index
        %get3A_530 = arith.index_cast %scan3A_486 : i32 to index
        %get3A_531 = arith.constant 32 : index
        %get3A_532 = tpu.vector_load %arg8[%get3A_529, %get3A_530, %get3A_531] {strides = array<i32>} : memref<4x200x64xf32, #tpu.memory_space<vmem>>, vector<1x1x16xf32>,
        %get3A_533 = vector.shape_cast %get3A_532 : vector<1x1x16xf32> to vector<16xf32>
        %mul3A_534 = arith.constant 8.000000e+00 : f32
        %mul3A_535 = vector.broadcast %mul3A_534 : f32 to vector<16xf32>
        %mul3A_536 = arith.mulf %get3A_533, %mul3A_535 : vector<16xf32>
        %get3A_537 = arith.index_cast %scan3A_486 : i32 to index
        %get3A_538 = arith.constant 32 : index
        %get3A_539 = tpu.vector_load %arg6[%get3A_537, %get3A_538] {strides = array<i32>} : memref<200x64xf32, #tpu.memory_space<vmem>>, vector<1x16xf32>,
        %get3A_540 = vector.shape_cast %get3A_539 : vector<1x16xf32> to vector<16xf32>
        %add3A_541 = arith.addf %mul3A_536, %get3A_540 : vector<16xf32>
        %swap3A_542 = arith.constant 0 : i32
        %swap3A_543 = arith.index_cast %swap3A_542 : i32 to index
        %swap3A_544 = arith.index_cast %scan3A_486 : i32 to index
        %swap3A_545 = arith.constant 32 : index
        %swap3A_546 = tpu.vector_load %arg9[%swap3A_543, %swap3A_544, %swap3A_545] {strides = array<i32>} : memref<4x200x64xf32, #tpu.memory_space<vmem>>, vector<1x1x16xf32>,
        %swap3A_547 = vector.shape_cast %swap3A_546 : vector<1x1x16xf32> to vector<16xf32>
        %swap3A_548 = vector.shape_cast %add3A_541 : vector<16xf32> to vector<1x1x16xf32>
        tpu.vector_store %arg9[%swap3A_543, %swap3A_544, %swap3A_545], %swap3A_548 {strides = array<i32>} : memref<4x200x64xf32, #tpu.memory_space<vmem>>, vector<1x1x16xf32>,
        %get3A_549 = arith.constant 0 : i32
        %get3A_550 = arith.index_cast %get3A_549 : i32 to index
        %get3A_551 = arith.index_cast %scan3A_486 : i32 to index
        %get3A_552 = arith.constant 48 : index
        %get3A_553 = tpu.vector_load %arg8[%get3A_550, %get3A_551, %get3A_552] {strides = array<i32>} : memref<4x200x64xf32, #tpu.memory_space<vmem>>, vector<1x1x16xf32>,
        %get3A_554 = vector.shape_cast %get3A_553 : vector<1x1x16xf32> to vector<16xf32>
        %mul3A_555 = arith.constant 8.000000e+00 : f32
        %mul3A_556 = vector.broadcast %mul3A_555 : f32 to vector<16xf32>
        %mul3A_557 = arith.mulf %get3A_554, %mul3A_556 : vector<16xf32>
        %get3A_558 = arith.index_cast %scan3A_486 : i32 to index
        %get3A_559 = arith.constant 48 : index
        %get3A_560 = tpu.vector_load %arg6[%get3A_558, %get3A_559] {strides = array<i32>} : memref<200x64xf32, #tpu.memory_space<vmem>>, vector<1x16xf32>,
        %get3A_561 = vector.shape_cast %get3A_560 : vector<1x16xf32> to vector<16xf32>
        %add3A_562 = arith.addf %mul3A_557, %get3A_561 : vector<16xf32>
        %swap3A_563 = arith.constant 0 : i32
        %swap3A_564 = arith.index_cast %swap3A_563 : i32 to index
        %swap3A_565 = arith.index_cast %scan3A_486 : i32 to index
        %swap3A_566 = arith.constant 48 : index
        %swap3A_567 = tpu.vector_load %arg9[%swap3A_564, %swap3A_565, %swap3A_566] {strides = array<i32>} : memref<4x200x64xf32, #tpu.memory_space<vmem>>, vector<1x1x16xf32>,
        %swap3A_568 = vector.shape_cast %swap3A_567 : vector<1x1x16xf32> to vector<16xf32>
        %swap3A_569 = vector.shape_cast %add3A_562 : vector<16xf32> to vector<1x1x16xf32>
        tpu.vector_store %arg9[%swap3A_564, %swap3A_565, %swap3A_566], %swap3A_569 {strides = array<i32>} : memref<4x200x64xf32, #tpu.memory_space<vmem>>, vector<1x1x16xf32>,
        %scan3A_570 = arith.constant 0 : i32
        scf.yield %scan3A_570 : i32
      }
      %scan3A_249 = arith.constant 200 : i32
      %lt3A = arith.constant 7 : i32
      %lt3A_250 = arith.cmpi slt, %scan3A_207, %lt3A : i32
      %convert_element_type3A_251 = arith.extui %lt3A_250 : i1 to i32
      %cond3A_252 = arith.constant 0 : i32
      %cond3A_253 = arith.cmpi ne, %convert_element_type3A_251, %cond3A_252 : i32
      scf.if %cond3A_253 {
        %add3A_486 = arith.constant 4 : i32
        %add3A_487 = arith.addi %add3A_212, %add3A_486 : i32
        %dma_start3A_488 = arith.constant 0 : i32
        %dma_start3A_489 = arith.constant 0 : i32
        %dma_start3A_490 = arith.constant 0 : i32
        %dma_start3A_491 = arith.constant 0 : i32
        %dma_start3A_492 = tpu.memref_slice %arg8[%dma_start3A_488, %dma_start3A_490, %dma_start3A_491] : memref<4x200x64xf32, #tpu.memory_space<vmem>> -> memref<1x128x64xf32, #tpu.memory_space<vmem>>
        %dma_start3A_493 = tpu.memref_squeeze %dma_start3A_492 : memref<1x128x64xf32, #tpu.memory_space<vmem>> -> memref<128x64xf32, #tpu.memory_space<vmem>>
        %dma_start3A_494 = arith.constant 0 : i32
        %dma_start3A_495 = tpu.memref_slice %arg7[%add3A_487, %dma_start3A_494] : memref<32x200xi32, #tpu.memory_space<vmem>> -> memref<1x128xi32, #tpu.memory_space<vmem>>
        %dma_start3A_496 = tpu.memref_squeeze %dma_start3A_495 : memref<1x128xi32, #tpu.memory_space<vmem>> -> memref<128xi32, #tpu.memory_space<vmem>>
        %dma_start3A_497 = arith.constant 0 : i32
        %dma_start3A_498 = arith.constant 0 : i32
        %dma_start3A_499 = tpu.memref_slice %arg3[%dma_start3A_497, %dma_start3A_498] : memref<1000000x64xf32, #tpu.memory_space<hbm>> -> memref<1000000x64xf32, #tpu.memory_space<hbm>>
        %dma_start3A_500 = tpu.memref_slice %arg10[%dma_start3A_489] : memref<4x!tpu.dma_semaphore, #tpu.memory_space<semaphore_mem>> -> memref<1x!tpu.dma_semaphore, #tpu.memory_space<semaphore_mem>>
        %dma_start3A_501 = tpu.memref_squeeze %dma_start3A_500 : memref<1x!tpu.dma_semaphore, #tpu.memory_space<semaphore_mem>> -> memref<!tpu.dma_semaphore, #tpu.memory_space<semaphore_mem>>
        tpu.enqueue_indirect_dma source(%dma_start3A_499 : memref<1000000x64xf32, #tpu.memory_space<hbm>>) target(%dma_start3A_493 : memref<128x64xf32, #tpu.memory_space<vmem>>) offsets(%dma_start3A_496 : memref<128xi32, #tpu.memory_space<vmem>>) semaphore(%dma_start3A_501 : memref<!tpu.dma_semaphore, #tpu.memory_space<semaphore_mem>>)
        %dma_start3A_502 = arith.constant 0 : i32
        %dma_start3A_503 = arith.constant 0 : i32
        %dma_start3A_504 = arith.constant 128 : i32
        %dma_start3A_505 = arith.constant 0 : i32
        %dma_start3A_506 = tpu.memref_slice %arg8[%dma_start3A_502, %dma_start3A_504, %dma_start3A_505] : memref<4x200x64xf32, #tpu.memory_space<vmem>> -> memref<1x72x64xf32, #tpu.memory_space<vmem>>
        %dma_start3A_507 = tpu.memref_squeeze %dma_start3A_506 : memref<1x72x64xf32, #tpu.memory_space<vmem>> -> memref<72x64xf32, #tpu.memory_space<vmem>>
        %dma_start3A_508 = arith.constant 128 : i32
        %dma_start3A_509 = tpu.memref_slice %arg7[%add3A_487, %dma_start3A_508] : memref<32x200xi32, #tpu.memory_space<vmem>> -> memref<1x72xi32, #tpu.memory_space<vmem>>
        %dma_start3A_510 = tpu.memref_squeeze %dma_start3A_509 : memref<1x72xi32, #tpu.memory_space<vmem>> -> memref<72xi32, #tpu.memory_space<vmem>>
        %dma_start3A_511 = arith.constant 0 : i32
        %dma_start3A_512 = arith.constant 0 : i32
        %dma_start3A_513 = tpu.memref_slice %arg3[%dma_start3A_511, %dma_start3A_512] : memref<1000000x64xf32, #tpu.memory_space<hbm>> -> memref<1000000x64xf32, #tpu.memory_space<hbm>>
        %dma_start3A_514 = tpu.memref_slice %arg10[%dma_start3A_503] : memref<4x!tpu.dma_semaphore, #tpu.memory_space<semaphore_mem>> -> memref<1x!tpu.dma_semaphore, #tpu.memory_space<semaphore_mem>>
        %dma_start3A_515 = tpu.memref_squeeze %dma_start3A_514 : memref<1x!tpu.dma_semaphore, #tpu.memory_space<semaphore_mem>> -> memref<!tpu.dma_semaphore, #tpu.memory_space<semaphore_mem>>
        tpu.enqueue_indirect_dma source(%dma_start3A_513 : memref<1000000x64xf32, #tpu.memory_space<hbm>>) target(%dma_start3A_507 : memref<72x64xf32, #tpu.memory_space<vmem>>) offsets(%dma_start3A_510 : memref<72xi32, #tpu.memory_space<vmem>>) semaphore(%dma_start3A_515 : memref<!tpu.dma_semaphore, #tpu.memory_space<semaphore_mem>>)
      } else {
      }
      %add3A_254 = arith.addi %mul3A_2, %add3A_212 : i32
      %dma_start3A_255 = arith.constant 0 : i32
      %dma_start3A_256 = arith.constant 0 : i32
      %dma_start3A_257 = arith.constant 0 : i32
      %dma_start3A_258 = arith.constant 0 : i32
      %dma_start3A_259 = tpu.memref_slice %arg9[%dma_start3A_255, %dma_start3A_257, %dma_start3A_258] : memref<4x200x64xf32, #tpu.memory_space<vmem>> -> memref<1x200x64xf32, #tpu.memory_space<vmem>>
      %dma_start3A_260 = tpu.memref_squeeze %dma_start3A_259 : memref<1x200x64xf32, #tpu.memory_space<vmem>> -> memref<200x64xf32, #tpu.memory_space<vmem>>
      %dma_start3A_261 = arith.constant 0 : i32
      %dma_start3A_262 = arith.constant 0 : i32
      %dma_start3A_263 = tpu.memref_slice %arg5[%add3A_254, %dma_start3A_261, %dma_start3A_262] : memref<1024x200x64xf32, #tpu.memory_space<hbm>> -> memref<1x200x64xf32, #tpu.memory_space<hbm>>
      %dma_start3A_264 = tpu.memref_squeeze %dma_start3A_263 : memref<1x200x64xf32, #tpu.memory_space<hbm>> -> memref<200x64xf32, #tpu.memory_space<hbm>>
      %dma_start3A_265 = tpu.memref_slice %arg11[%dma_start3A_256] : memref<4x!tpu.dma_semaphore, #tpu.memory_space<semaphore_mem>> -> memref<1x!tpu.dma_semaphore, #tpu.memory_space<semaphore_mem>>
      %dma_start3A_266 = tpu.memref_squeeze %dma_start3A_265 : memref<1x!tpu.dma_semaphore, #tpu.memory_space<semaphore_mem>> -> memref<!tpu.dma_semaphore, #tpu.memory_space<semaphore_mem>>
      %dma_start3A_267 = arith.constant 0 : i32
      %dma_start3A_268 = arith.constant 0 : i32
      %dma_start3A_269 = tpu.memref_slice %arg5[%add3A_254, %dma_start3A_267, %dma_start3A_268] : memref<1024x200x64xf32, #tpu.memory_space<hbm>> -> memref<1x200x64xf32, #tpu.memory_space<hbm>>
      %dma_start3A_270 = tpu.memref_squeeze %dma_start3A_269 : memref<1x200x64xf32, #tpu.memory_space<hbm>> -> memref<200x64xf32, #tpu.memory_space<hbm>>
      %dma_start3A_271 = arith.constant 0 : i32
      %dma_start3A_272 = arith.constant 0 : i32
      %dma_start3A_273 = tpu.memref_slice %arg9[%dma_start3A_255, %dma_start3A_271, %dma_start3A_272] : memref<4x200x64xf32, #tpu.memory_space<vmem>> -> memref<1x200x64xf32, #tpu.memory_space<vmem>>
      %dma_start3A_274 = tpu.memref_squeeze %dma_start3A_273 : memref<1x200x64xf32, #tpu.memory_space<vmem>> -> memref<200x64xf32, #tpu.memory_space<vmem>>
      tpu.enqueue_dma source(%dma_start3A_274 : memref<200x64xf32, #tpu.memory_space<vmem>>) target(%dma_start3A_270 : memref<200x64xf32, #tpu.memory_space<hbm>>) target_semaphore(%dma_start3A_266 : memref<!tpu.dma_semaphore, #tpu.memory_space<semaphore_mem>>)
      %mul3A_275 = arith.constant 4 : i32
      %mul3A_276 = arith.muli %scan3A_207, %mul3A_275 : i32
      %add3A_277 = arith.constant 1 : i32
      %add3A_278 = arith.addi %mul3A_276, %add3A_277 : i32
      %dma_wait3A_279 = arith.constant 1 : i32
      %dma_wait3A_280 = arith.constant 1 : i32
      %dma_wait3A_281 = arith.constant 0 : i32
      %dma_wait3A_282 = arith.constant 0 : i32
      %dma_wait3A_283 = tpu.memref_slice %arg8[%dma_wait3A_279, %dma_wait3A_281, %dma_wait3A_282] : memref<4x200x64xf32, #tpu.memory_space<vmem>> -> memref<1x128x64xf32, #tpu.memory_space<vmem>>
      %dma_wait3A_284 = tpu.memref_squeeze %dma_wait3A_283 : memref<1x128x64xf32, #tpu.memory_space<vmem>> -> memref<128x64xf32, #tpu.memory_space<vmem>>
      %dma_wait3A_285 = arith.constant 0 : i32
      %dma_wait3A_286 = tpu.memref_slice %arg7[%add3A_278, %dma_wait3A_285] : memref<32x200xi32, #tpu.memory_space<vmem>> -> memref<1x128xi32, #tpu.memory_space<vmem>>
      %dma_wait3A_287 = tpu.memref_squeeze %dma_wait3A_286 : memref<1x128xi32, #tpu.memory_space<vmem>> -> memref<128xi32, #tpu.memory_space<vmem>>
      %dma_wait3A_288 = arith.constant 0 : i32
      %dma_wait3A_289 = arith.constant 0 : i32
      %dma_wait3A_290 = tpu.memref_slice %arg3[%dma_wait3A_288, %dma_wait3A_289] : memref<1000000x64xf32, #tpu.memory_space<hbm>> -> memref<1000000x64xf32, #tpu.memory_space<hbm>>
      %dma_wait3A_291 = tpu.memref_slice %arg10[%dma_wait3A_280] : memref<4x!tpu.dma_semaphore, #tpu.memory_space<semaphore_mem>> -> memref<1x!tpu.dma_semaphore, #tpu.memory_space<semaphore_mem>>
      %dma_wait3A_292 = tpu.memref_squeeze %dma_wait3A_291 : memref<1x!tpu.dma_semaphore, #tpu.memory_space<semaphore_mem>> -> memref<!tpu.dma_semaphore, #tpu.memory_space<semaphore_mem>>
      tpu.wait_indirect_dma semaphore(%dma_wait3A_292 : memref<!tpu.dma_semaphore, #tpu.memory_space<semaphore_mem>>) src(%dma_wait3A_290 : memref<1000000x64xf32, #tpu.memory_space<hbm>>) dst(%dma_wait3A_284 : memref<128x64xf32, #tpu.memory_space<vmem>>)
      %dma_wait3A_293 = arith.constant 1 : i32
      %dma_wait3A_294 = arith.constant 1 : i32
      %dma_wait3A_295 = arith.constant 128 : i32
      %dma_wait3A_296 = arith.constant 0 : i32
      %dma_wait3A_297 = tpu.memref_slice %arg8[%dma_wait3A_293, %dma_wait3A_295, %dma_wait3A_296] : memref<4x200x64xf32, #tpu.memory_space<vmem>> -> memref<1x72x64xf32, #tpu.memory_space<vmem>>
      %dma_wait3A_298 = tpu.memref_squeeze %dma_wait3A_297 : memref<1x72x64xf32, #tpu.memory_space<vmem>> -> memref<72x64xf32, #tpu.memory_space<vmem>>
      %dma_wait3A_299 = arith.constant 128 : i32
      %dma_wait3A_300 = tpu.memref_slice %arg7[%add3A_278, %dma_wait3A_299] : memref<32x200xi32, #tpu.memory_space<vmem>> -> memref<1x72xi32, #tpu.memory_space<vmem>>
      %dma_wait3A_301 = tpu.memref_squeeze %dma_wait3A_300 : memref<1x72xi32, #tpu.memory_space<vmem>> -> memref<72xi32, #tpu.memory_space<vmem>>
      %dma_wait3A_302 = arith.constant 0 : i32
      %dma_wait3A_303 = arith.constant 0 : i32
      %dma_wait3A_304 = tpu.memref_slice %arg3[%dma_wait3A_302, %dma_wait3A_303] : memref<1000000x64xf32, #tpu.memory_space<hbm>> -> memref<1000000x64xf32, #tpu.memory_space<hbm>>
      %dma_wait3A_305 = tpu.memref_slice %arg10[%dma_wait3A_294] : memref<4x!tpu.dma_semaphore, #tpu.memory_space<semaphore_mem>> -> memref<1x!tpu.dma_semaphore, #tpu.memory_space<semaphore_mem>>
      %dma_wait3A_306 = tpu.memref_squeeze %dma_wait3A_305 : memref<1x!tpu.dma_semaphore, #tpu.memory_space<semaphore_mem>> -> memref<!tpu.dma_semaphore, #tpu.memory_space<semaphore_mem>>
      tpu.wait_indirect_dma semaphore(%dma_wait3A_306 : memref<!tpu.dma_semaphore, #tpu.memory_space<semaphore_mem>>) src(%dma_wait3A_304 : memref<1000000x64xf32, #tpu.memory_space<hbm>>) dst(%dma_wait3A_298 : memref<72x64xf32, #tpu.memory_space<vmem>>)
      %gt3A_307 = arith.constant 0 : i32
      %gt3A_308 = arith.cmpi sgt, %scan3A_207, %gt3A_307 : i32
      %convert_element_type3A_309 = arith.extui %gt3A_308 : i1 to i32
      %cond3A_310 = arith.constant 0 : i32
      %cond3A_311 = arith.cmpi ne, %convert_element_type3A_309, %cond3A_310 : i32
      scf.if %cond3A_311 {
        %dma_wait3A_486 = arith.constant 1 : i32
        %dma_wait3A_487 = arith.constant 1 : i32
        %dma_wait3A_488 = arith.constant 0 : i32
        %dma_wait3A_489 = arith.constant 0 : i32
        %dma_wait3A_490 = tpu.memref_slice %arg9[%dma_wait3A_486, %dma_wait3A_488, %dma_wait3A_489] : memref<4x200x64xf32, #tpu.memory_space<vmem>> -> memref<1x200x64xf32, #tpu.memory_space<vmem>>
        %dma_wait3A_491 = tpu.memref_squeeze %dma_wait3A_490 : memref<1x200x64xf32, #tpu.memory_space<vmem>> -> memref<200x64xf32, #tpu.memory_space<vmem>>
        %dma_wait3A_492 = arith.constant 0 : i32
        %dma_wait3A_493 = arith.constant 0 : i32
        %dma_wait3A_494 = tpu.memref_slice %arg5[%mul3A_2, %dma_wait3A_492, %dma_wait3A_493] : memref<1024x200x64xf32, #tpu.memory_space<hbm>> -> memref<1x200x64xf32, #tpu.memory_space<hbm>>
        %dma_wait3A_495 = tpu.memref_squeeze %dma_wait3A_494 : memref<1x200x64xf32, #tpu.memory_space<hbm>> -> memref<200x64xf32, #tpu.memory_space<hbm>>
        %dma_wait3A_496 = tpu.memref_slice %arg11[%dma_wait3A_487] : memref<4x!tpu.dma_semaphore, #tpu.memory_space<semaphore_mem>> -> memref<1x!tpu.dma_semaphore, #tpu.memory_space<semaphore_mem>>
        %dma_wait3A_497 = tpu.memref_squeeze %dma_wait3A_496 : memref<1x!tpu.dma_semaphore, #tpu.memory_space<semaphore_mem>> -> memref<!tpu.dma_semaphore, #tpu.memory_space<semaphore_mem>>
        %dma_wait3A_498 = arith.constant 0 : i32
        %dma_wait3A_499 = arith.constant 0 : i32
        %dma_wait3A_500 = tpu.memref_slice %arg5[%mul3A_2, %dma_wait3A_498, %dma_wait3A_499] : memref<1024x200x64xf32, #tpu.memory_space<hbm>> -> memref<1x200x64xf32, #tpu.memory_space<hbm>>
        %dma_wait3A_501 = tpu.memref_squeeze %dma_wait3A_500 : memref<1x200x64xf32, #tpu.memory_space<hbm>> -> memref<200x64xf32, #tpu.memory_space<hbm>>
        %dma_wait3A_502 = arith.constant 0 : i32
        %dma_wait3A_503 = arith.constant 0 : i32
        %dma_wait3A_504 = tpu.memref_slice %arg9[%dma_wait3A_486, %dma_wait3A_502, %dma_wait3A_503] : memref<4x200x64xf32, #tpu.memory_space<vmem>> -> memref<1x200x64xf32, #tpu.memory_space<vmem>>
        %dma_wait3A_505 = tpu.memref_squeeze %dma_wait3A_504 : memref<1x200x64xf32, #tpu.memory_space<vmem>> -> memref<200x64xf32, #tpu.memory_space<vmem>>
        tpu.wait_dma2 semaphore(%dma_wait3A_497 : memref<!tpu.dma_semaphore, #tpu.memory_space<semaphore_mem>>) src(%dma_wait3A_505 : memref<200x64xf32, #tpu.memory_space<vmem>>) dst(%dma_wait3A_501 : memref<200x64xf32, #tpu.memory_space<hbm>>)
      } else {
      }
      %scan3A_312 = arith.constant 0 : i32
      %scan3A_313 = arith.constant 0 : i32
      %scan3A_314 = arith.constant 200 : i32
      %scan3A_315 = arith.addi %scan3A_313, %scan3A_314 : i32
      %scan3A_316 = arith.constant 1 : i32
      %scan3A_317 = scf.for %scan3A_486 = %scan3A_313 to %scan3A_315 step %scan3A_316 iter_args(%scan3A_487 = %scan3A_312) -> (i32)  : i32 {
        %get3A = arith.constant 1 : i32
        %get3A_488 = arith.index_cast %get3A : i32 to index
        %get3A_489 = arith.index_cast %scan3A_486 : i32 to index
        %get3A_490 = arith.constant 0 : index
        %get3A_491 = tpu.vector_load %arg8[%get3A_488, %get3A_489, %get3A_490] {strides = array<i32>} : memref<4x200x64xf32, #tpu.memory_space<vmem>>, vector<1x1x16xf32>,
        %get3A_492 = vector.shape_cast %get3A_491 : vector<1x1x16xf32> to vector<16xf32>
        %mul3A_493 = arith.constant 8.000000e+00 : f32
        %mul3A_494 = vector.broadcast %mul3A_493 : f32 to vector<16xf32>
        %mul3A_495 = arith.mulf %get3A_492, %mul3A_494 : vector<16xf32>
        %get3A_496 = arith.index_cast %scan3A_486 : i32 to index
        %get3A_497 = arith.constant 0 : index
        %get3A_498 = tpu.vector_load %arg6[%get3A_496, %get3A_497] {strides = array<i32>} : memref<200x64xf32, #tpu.memory_space<vmem>>, vector<1x16xf32>,
        %get3A_499 = vector.shape_cast %get3A_498 : vector<1x16xf32> to vector<16xf32>
        %add3A_500 = arith.addf %mul3A_495, %get3A_499 : vector<16xf32>
        %swap3A = arith.constant 1 : i32
        %swap3A_501 = arith.index_cast %swap3A : i32 to index
        %swap3A_502 = arith.index_cast %scan3A_486 : i32 to index
        %swap3A_503 = arith.constant 0 : index
        %swap3A_504 = tpu.vector_load %arg9[%swap3A_501, %swap3A_502, %swap3A_503] {strides = array<i32>} : memref<4x200x64xf32, #tpu.memory_space<vmem>>, vector<1x1x16xf32>,
        %swap3A_505 = vector.shape_cast %swap3A_504 : vector<1x1x16xf32> to vector<16xf32>
        %swap3A_506 = vector.shape_cast %add3A_500 : vector<16xf32> to vector<1x1x16xf32>
        tpu.vector_store %arg9[%swap3A_501, %swap3A_502, %swap3A_503], %swap3A_506 {strides = array<i32>} : memref<4x200x64xf32, #tpu.memory_space<vmem>>, vector<1x1x16xf32>,
        %get3A_507 = arith.constant 1 : i32
        %get3A_508 = arith.index_cast %get3A_507 : i32 to index
        %get3A_509 = arith.index_cast %scan3A_486 : i32 to index
        %get3A_510 = arith.constant 16 : index
        %get3A_511 = tpu.vector_load %arg8[%get3A_508, %get3A_509, %get3A_510] {strides = array<i32>} : memref<4x200x64xf32, #tpu.memory_space<vmem>>, vector<1x1x16xf32>,
        %get3A_512 = vector.shape_cast %get3A_511 : vector<1x1x16xf32> to vector<16xf32>
        %mul3A_513 = arith.constant 8.000000e+00 : f32
        %mul3A_514 = vector.broadcast %mul3A_513 : f32 to vector<16xf32>
        %mul3A_515 = arith.mulf %get3A_512, %mul3A_514 : vector<16xf32>
        %get3A_516 = arith.index_cast %scan3A_486 : i32 to index
        %get3A_517 = arith.constant 16 : index
        %get3A_518 = tpu.vector_load %arg6[%get3A_516, %get3A_517] {strides = array<i32>} : memref<200x64xf32, #tpu.memory_space<vmem>>, vector<1x16xf32>,
        %get3A_519 = vector.shape_cast %get3A_518 : vector<1x16xf32> to vector<16xf32>
        %add3A_520 = arith.addf %mul3A_515, %get3A_519 : vector<16xf32>
        %swap3A_521 = arith.constant 1 : i32
        %swap3A_522 = arith.index_cast %swap3A_521 : i32 to index
        %swap3A_523 = arith.index_cast %scan3A_486 : i32 to index
        %swap3A_524 = arith.constant 16 : index
        %swap3A_525 = tpu.vector_load %arg9[%swap3A_522, %swap3A_523, %swap3A_524] {strides = array<i32>} : memref<4x200x64xf32, #tpu.memory_space<vmem>>, vector<1x1x16xf32>,
        %swap3A_526 = vector.shape_cast %swap3A_525 : vector<1x1x16xf32> to vector<16xf32>
        %swap3A_527 = vector.shape_cast %add3A_520 : vector<16xf32> to vector<1x1x16xf32>
        tpu.vector_store %arg9[%swap3A_522, %swap3A_523, %swap3A_524], %swap3A_527 {strides = array<i32>} : memref<4x200x64xf32, #tpu.memory_space<vmem>>, vector<1x1x16xf32>,
        %get3A_528 = arith.constant 1 : i32
        %get3A_529 = arith.index_cast %get3A_528 : i32 to index
        %get3A_530 = arith.index_cast %scan3A_486 : i32 to index
        %get3A_531 = arith.constant 32 : index
        %get3A_532 = tpu.vector_load %arg8[%get3A_529, %get3A_530, %get3A_531] {strides = array<i32>} : memref<4x200x64xf32, #tpu.memory_space<vmem>>, vector<1x1x16xf32>,
        %get3A_533 = vector.shape_cast %get3A_532 : vector<1x1x16xf32> to vector<16xf32>
        %mul3A_534 = arith.constant 8.000000e+00 : f32
        %mul3A_535 = vector.broadcast %mul3A_534 : f32 to vector<16xf32>
        %mul3A_536 = arith.mulf %get3A_533, %mul3A_535 : vector<16xf32>
        %get3A_537 = arith.index_cast %scan3A_486 : i32 to index
        %get3A_538 = arith.constant 32 : index
        %get3A_539 = tpu.vector_load %arg6[%get3A_537, %get3A_538] {strides = array<i32>} : memref<200x64xf32, #tpu.memory_space<vmem>>, vector<1x16xf32>,
        %get3A_540 = vector.shape_cast %get3A_539 : vector<1x16xf32> to vector<16xf32>
        %add3A_541 = arith.addf %mul3A_536, %get3A_540 : vector<16xf32>
        %swap3A_542 = arith.constant 1 : i32
        %swap3A_543 = arith.index_cast %swap3A_542 : i32 to index
        %swap3A_544 = arith.index_cast %scan3A_486 : i32 to index
        %swap3A_545 = arith.constant 32 : index
        %swap3A_546 = tpu.vector_load %arg9[%swap3A_543, %swap3A_544, %swap3A_545] {strides = array<i32>} : memref<4x200x64xf32, #tpu.memory_space<vmem>>, vector<1x1x16xf32>,
        %swap3A_547 = vector.shape_cast %swap3A_546 : vector<1x1x16xf32> to vector<16xf32>
        %swap3A_548 = vector.shape_cast %add3A_541 : vector<16xf32> to vector<1x1x16xf32>
        tpu.vector_store %arg9[%swap3A_543, %swap3A_544, %swap3A_545], %swap3A_548 {strides = array<i32>} : memref<4x200x64xf32, #tpu.memory_space<vmem>>, vector<1x1x16xf32>,
        %get3A_549 = arith.constant 1 : i32
        %get3A_550 = arith.index_cast %get3A_549 : i32 to index
        %get3A_551 = arith.index_cast %scan3A_486 : i32 to index
        %get3A_552 = arith.constant 48 : index
        %get3A_553 = tpu.vector_load %arg8[%get3A_550, %get3A_551, %get3A_552] {strides = array<i32>} : memref<4x200x64xf32, #tpu.memory_space<vmem>>, vector<1x1x16xf32>,
        %get3A_554 = vector.shape_cast %get3A_553 : vector<1x1x16xf32> to vector<16xf32>
        %mul3A_555 = arith.constant 8.000000e+00 : f32
        %mul3A_556 = vector.broadcast %mul3A_555 : f32 to vector<16xf32>
        %mul3A_557 = arith.mulf %get3A_554, %mul3A_556 : vector<16xf32>
        %get3A_558 = arith.index_cast %scan3A_486 : i32 to index
        %get3A_559 = arith.constant 48 : index
        %get3A_560 = tpu.vector_load %arg6[%get3A_558, %get3A_559] {strides = array<i32>} : memref<200x64xf32, #tpu.memory_space<vmem>>, vector<1x16xf32>,
        %get3A_561 = vector.shape_cast %get3A_560 : vector<1x16xf32> to vector<16xf32>
        %add3A_562 = arith.addf %mul3A_557, %get3A_561 : vector<16xf32>
        %swap3A_563 = arith.constant 1 : i32
        %swap3A_564 = arith.index_cast %swap3A_563 : i32 to index
        %swap3A_565 = arith.index_cast %scan3A_486 : i32 to index
        %swap3A_566 = arith.constant 48 : index
        %swap3A_567 = tpu.vector_load %arg9[%swap3A_564, %swap3A_565, %swap3A_566] {strides = array<i32>} : memref<4x200x64xf32, #tpu.memory_space<vmem>>, vector<1x1x16xf32>,
        %swap3A_568 = vector.shape_cast %swap3A_567 : vector<1x1x16xf32> to vector<16xf32>
        %swap3A_569 = vector.shape_cast %add3A_562 : vector<16xf32> to vector<1x1x16xf32>
        tpu.vector_store %arg9[%swap3A_564, %swap3A_565, %swap3A_566], %swap3A_569 {strides = array<i32>} : memref<4x200x64xf32, #tpu.memory_space<vmem>>, vector<1x1x16xf32>,
        %scan3A_570 = arith.constant 0 : i32
        scf.yield %scan3A_570 : i32
      }
      %scan3A_318 = arith.constant 200 : i32
      %lt3A_319 = arith.constant 7 : i32
      %lt3A_320 = arith.cmpi slt, %scan3A_207, %lt3A_319 : i32
      %convert_element_type3A_321 = arith.extui %lt3A_320 : i1 to i32
      %cond3A_322 = arith.constant 0 : i32
      %cond3A_323 = arith.cmpi ne, %convert_element_type3A_321, %cond3A_322 : i32
      scf.if %cond3A_323 {
        %add3A_486 = arith.constant 4 : i32
        %add3A_487 = arith.addi %add3A_278, %add3A_486 : i32
        %dma_start3A_488 = arith.constant 1 : i32
        %dma_start3A_489 = arith.constant 1 : i32
        %dma_start3A_490 = arith.constant 0 : i32
        %dma_start3A_491 = arith.constant 0 : i32
        %dma_start3A_492 = tpu.memref_slice %arg8[%dma_start3A_488, %dma_start3A_490, %dma_start3A_491] : memref<4x200x64xf32, #tpu.memory_space<vmem>> -> memref<1x128x64xf32, #tpu.memory_space<vmem>>
        %dma_start3A_493 = tpu.memref_squeeze %dma_start3A_492 : memref<1x128x64xf32, #tpu.memory_space<vmem>> -> memref<128x64xf32, #tpu.memory_space<vmem>>
        %dma_start3A_494 = arith.constant 0 : i32
        %dma_start3A_495 = tpu.memref_slice %arg7[%add3A_487, %dma_start3A_494] : memref<32x200xi32, #tpu.memory_space<vmem>> -> memref<1x128xi32, #tpu.memory_space<vmem>>
        %dma_start3A_496 = tpu.memref_squeeze %dma_start3A_495 : memref<1x128xi32, #tpu.memory_space<vmem>> -> memref<128xi32, #tpu.memory_space<vmem>>
        %dma_start3A_497 = arith.constant 0 : i32
        %dma_start3A_498 = arith.constant 0 : i32
        %dma_start3A_499 = tpu.memref_slice %arg3[%dma_start3A_497, %dma_start3A_498] : memref<1000000x64xf32, #tpu.memory_space<hbm>> -> memref<1000000x64xf32, #tpu.memory_space<hbm>>
        %dma_start3A_500 = tpu.memref_slice %arg10[%dma_start3A_489] : memref<4x!tpu.dma_semaphore, #tpu.memory_space<semaphore_mem>> -> memref<1x!tpu.dma_semaphore, #tpu.memory_space<semaphore_mem>>
        %dma_start3A_501 = tpu.memref_squeeze %dma_start3A_500 : memref<1x!tpu.dma_semaphore, #tpu.memory_space<semaphore_mem>> -> memref<!tpu.dma_semaphore, #tpu.memory_space<semaphore_mem>>
        tpu.enqueue_indirect_dma source(%dma_start3A_499 : memref<1000000x64xf32, #tpu.memory_space<hbm>>) target(%dma_start3A_493 : memref<128x64xf32, #tpu.memory_space<vmem>>) offsets(%dma_start3A_496 : memref<128xi32, #tpu.memory_space<vmem>>) semaphore(%dma_start3A_501 : memref<!tpu.dma_semaphore, #tpu.memory_space<semaphore_mem>>)
        %dma_start3A_502 = arith.constant 1 : i32
        %dma_start3A_503 = arith.constant 1 : i32
        %dma_start3A_504 = arith.constant 128 : i32
        %dma_start3A_505 = arith.constant 0 : i32
        %dma_start3A_506 = tpu.memref_slice %arg8[%dma_start3A_502, %dma_start3A_504, %dma_start3A_505] : memref<4x200x64xf32, #tpu.memory_space<vmem>> -> memref<1x72x64xf32, #tpu.memory_space<vmem>>
        %dma_start3A_507 = tpu.memref_squeeze %dma_start3A_506 : memref<1x72x64xf32, #tpu.memory_space<vmem>> -> memref<72x64xf32, #tpu.memory_space<vmem>>
        %dma_start3A_508 = arith.constant 128 : i32
        %dma_start3A_509 = tpu.memref_slice %arg7[%add3A_487, %dma_start3A_508] : memref<32x200xi32, #tpu.memory_space<vmem>> -> memref<1x72xi32, #tpu.memory_space<vmem>>
        %dma_start3A_510 = tpu.memref_squeeze %dma_start3A_509 : memref<1x72xi32, #tpu.memory_space<vmem>> -> memref<72xi32, #tpu.memory_space<vmem>>
        %dma_start3A_511 = arith.constant 0 : i32
        %dma_start3A_512 = arith.constant 0 : i32
        %dma_start3A_513 = tpu.memref_slice %arg3[%dma_start3A_511, %dma_start3A_512] : memref<1000000x64xf32, #tpu.memory_space<hbm>> -> memref<1000000x64xf32, #tpu.memory_space<hbm>>
        %dma_start3A_514 = tpu.memref_slice %arg10[%dma_start3A_503] : memref<4x!tpu.dma_semaphore, #tpu.memory_space<semaphore_mem>> -> memref<1x!tpu.dma_semaphore, #tpu.memory_space<semaphore_mem>>
        %dma_start3A_515 = tpu.memref_squeeze %dma_start3A_514 : memref<1x!tpu.dma_semaphore, #tpu.memory_space<semaphore_mem>> -> memref<!tpu.dma_semaphore, #tpu.memory_space<semaphore_mem>>
        tpu.enqueue_indirect_dma source(%dma_start3A_513 : memref<1000000x64xf32, #tpu.memory_space<hbm>>) target(%dma_start3A_507 : memref<72x64xf32, #tpu.memory_space<vmem>>) offsets(%dma_start3A_510 : memref<72xi32, #tpu.memory_space<vmem>>) semaphore(%dma_start3A_515 : memref<!tpu.dma_semaphore, #tpu.memory_space<semaphore_mem>>)
      } else {
      }
      %add3A_324 = arith.addi %mul3A_2, %add3A_278 : i32
      %dma_start3A_325 = arith.constant 1 : i32
      %dma_start3A_326 = arith.constant 1 : i32
      %dma_start3A_327 = arith.constant 0 : i32
      %dma_start3A_328 = arith.constant 0 : i32
      %dma_start3A_329 = tpu.memref_slice %arg9[%dma_start3A_325, %dma_start3A_327, %dma_start3A_328] : memref<4x200x64xf32, #tpu.memory_space<vmem>> -> memref<1x200x64xf32, #tpu.memory_space<vmem>>
      %dma_start3A_330 = tpu.memref_squeeze %dma_start3A_329 : memref<1x200x64xf32, #tpu.memory_space<vmem>> -> memref<200x64xf32, #tpu.memory_space<vmem>>
      %dma_start3A_331 = arith.constant 0 : i32
      %dma_start3A_332 = arith.constant 0 : i32
      %dma_start3A_333 = tpu.memref_slice %arg5[%add3A_324, %dma_start3A_331, %dma_start3A_332] : memref<1024x200x64xf32, #tpu.memory_space<hbm>> -> memref<1x200x64xf32, #tpu.memory_space<hbm>>
      %dma_start3A_334 = tpu.memref_squeeze %dma_start3A_333 : memref<1x200x64xf32, #tpu.memory_space<hbm>> -> memref<200x64xf32, #tpu.memory_space<hbm>>
      %dma_start3A_335 = tpu.memref_slice %arg11[%dma_start3A_326] : memref<4x!tpu.dma_semaphore, #tpu.memory_space<semaphore_mem>> -> memref<1x!tpu.dma_semaphore, #tpu.memory_space<semaphore_mem>>
      %dma_start3A_336 = tpu.memref_squeeze %dma_start3A_335 : memref<1x!tpu.dma_semaphore, #tpu.memory_space<semaphore_mem>> -> memref<!tpu.dma_semaphore, #tpu.memory_space<semaphore_mem>>
      %dma_start3A_337 = arith.constant 0 : i32
      %dma_start3A_338 = arith.constant 0 : i32
      %dma_start3A_339 = tpu.memref_slice %arg5[%add3A_324, %dma_start3A_337, %dma_start3A_338] : memref<1024x200x64xf32, #tpu.memory_space<hbm>> -> memref<1x200x64xf32, #tpu.memory_space<hbm>>
      %dma_start3A_340 = tpu.memref_squeeze %dma_start3A_339 : memref<1x200x64xf32, #tpu.memory_space<hbm>> -> memref<200x64xf32, #tpu.memory_space<hbm>>
      %dma_start3A_341 = arith.constant 0 : i32
      %dma_start3A_342 = arith.constant 0 : i32
      %dma_start3A_343 = tpu.memref_slice %arg9[%dma_start3A_325, %dma_start3A_341, %dma_start3A_342] : memref<4x200x64xf32, #tpu.memory_space<vmem>> -> memref<1x200x64xf32, #tpu.memory_space<vmem>>
      %dma_start3A_344 = tpu.memref_squeeze %dma_start3A_343 : memref<1x200x64xf32, #tpu.memory_space<vmem>> -> memref<200x64xf32, #tpu.memory_space<vmem>>
      tpu.enqueue_dma source(%dma_start3A_344 : memref<200x64xf32, #tpu.memory_space<vmem>>) target(%dma_start3A_340 : memref<200x64xf32, #tpu.memory_space<hbm>>) target_semaphore(%dma_start3A_336 : memref<!tpu.dma_semaphore, #tpu.memory_space<semaphore_mem>>)
      %mul3A_345 = arith.constant 4 : i32
      %mul3A_346 = arith.muli %scan3A_207, %mul3A_345 : i32
      %add3A_347 = arith.constant 2 : i32
      %add3A_348 = arith.addi %mul3A_346, %add3A_347 : i32
      %dma_wait3A_349 = arith.constant 2 : i32
      %dma_wait3A_350 = arith.constant 2 : i32
      %dma_wait3A_351 = arith.constant 0 : i32
      %dma_wait3A_352 = arith.constant 0 : i32
      %dma_wait3A_353 = tpu.memref_slice %arg8[%dma_wait3A_349, %dma_wait3A_351, %dma_wait3A_352] : memref<4x200x64xf32, #tpu.memory_space<vmem>> -> memref<1x128x64xf32, #tpu.memory_space<vmem>>
      %dma_wait3A_354 = tpu.memref_squeeze %dma_wait3A_353 : memref<1x128x64xf32, #tpu.memory_space<vmem>> -> memref<128x64xf32, #tpu.memory_space<vmem>>
      %dma_wait3A_355 = arith.constant 0 : i32
      %dma_wait3A_356 = tpu.memref_slice %arg7[%add3A_348, %dma_wait3A_355] : memref<32x200xi32, #tpu.memory_space<vmem>> -> memref<1x128xi32, #tpu.memory_space<vmem>>
      %dma_wait3A_357 = tpu.memref_squeeze %dma_wait3A_356 : memref<1x128xi32, #tpu.memory_space<vmem>> -> memref<128xi32, #tpu.memory_space<vmem>>
      %dma_wait3A_358 = arith.constant 0 : i32
      %dma_wait3A_359 = arith.constant 0 : i32
      %dma_wait3A_360 = tpu.memref_slice %arg3[%dma_wait3A_358, %dma_wait3A_359] : memref<1000000x64xf32, #tpu.memory_space<hbm>> -> memref<1000000x64xf32, #tpu.memory_space<hbm>>
      %dma_wait3A_361 = tpu.memref_slice %arg10[%dma_wait3A_350] : memref<4x!tpu.dma_semaphore, #tpu.memory_space<semaphore_mem>> -> memref<1x!tpu.dma_semaphore, #tpu.memory_space<semaphore_mem>>
      %dma_wait3A_362 = tpu.memref_squeeze %dma_wait3A_361 : memref<1x!tpu.dma_semaphore, #tpu.memory_space<semaphore_mem>> -> memref<!tpu.dma_semaphore, #tpu.memory_space<semaphore_mem>>
      tpu.wait_indirect_dma semaphore(%dma_wait3A_362 : memref<!tpu.dma_semaphore, #tpu.memory_space<semaphore_mem>>) src(%dma_wait3A_360 : memref<1000000x64xf32, #tpu.memory_space<hbm>>) dst(%dma_wait3A_354 : memref<128x64xf32, #tpu.memory_space<vmem>>)
      %dma_wait3A_363 = arith.constant 2 : i32
      %dma_wait3A_364 = arith.constant 2 : i32
      %dma_wait3A_365 = arith.constant 128 : i32
      %dma_wait3A_366 = arith.constant 0 : i32
      %dma_wait3A_367 = tpu.memref_slice %arg8[%dma_wait3A_363, %dma_wait3A_365, %dma_wait3A_366] : memref<4x200x64xf32, #tpu.memory_space<vmem>> -> memref<1x72x64xf32, #tpu.memory_space<vmem>>
      %dma_wait3A_368 = tpu.memref_squeeze %dma_wait3A_367 : memref<1x72x64xf32, #tpu.memory_space<vmem>> -> memref<72x64xf32, #tpu.memory_space<vmem>>
      %dma_wait3A_369 = arith.constant 128 : i32
      %dma_wait3A_370 = tpu.memref_slice %arg7[%add3A_348, %dma_wait3A_369] : memref<32x200xi32, #tpu.memory_space<vmem>> -> memref<1x72xi32, #tpu.memory_space<vmem>>
      %dma_wait3A_371 = tpu.memref_squeeze %dma_wait3A_370 : memref<1x72xi32, #tpu.memory_space<vmem>> -> memref<72xi32, #tpu.memory_space<vmem>>
      %dma_wait3A_372 = arith.constant 0 : i32
      %dma_wait3A_373 = arith.constant 0 : i32
      %dma_wait3A_374 = tpu.memref_slice %arg3[%dma_wait3A_372, %dma_wait3A_373] : memref<1000000x64xf32, #tpu.memory_space<hbm>> -> memref<1000000x64xf32, #tpu.memory_space<hbm>>
      %dma_wait3A_375 = tpu.memref_slice %arg10[%dma_wait3A_364] : memref<4x!tpu.dma_semaphore, #tpu.memory_space<semaphore_mem>> -> memref<1x!tpu.dma_semaphore, #tpu.memory_space<semaphore_mem>>
      %dma_wait3A_376 = tpu.memref_squeeze %dma_wait3A_375 : memref<1x!tpu.dma_semaphore, #tpu.memory_space<semaphore_mem>> -> memref<!tpu.dma_semaphore, #tpu.memory_space<semaphore_mem>>
      tpu.wait_indirect_dma semaphore(%dma_wait3A_376 : memref<!tpu.dma_semaphore, #tpu.memory_space<semaphore_mem>>) src(%dma_wait3A_374 : memref<1000000x64xf32, #tpu.memory_space<hbm>>) dst(%dma_wait3A_368 : memref<72x64xf32, #tpu.memory_space<vmem>>)
      %gt3A_377 = arith.constant 0 : i32
      %gt3A_378 = arith.cmpi sgt, %scan3A_207, %gt3A_377 : i32
      %convert_element_type3A_379 = arith.extui %gt3A_378 : i1 to i32
      %cond3A_380 = arith.constant 0 : i32
      %cond3A_381 = arith.cmpi ne, %convert_element_type3A_379, %cond3A_380 : i32
      scf.if %cond3A_381 {
        %dma_wait3A_486 = arith.constant 2 : i32
        %dma_wait3A_487 = arith.constant 2 : i32
        %dma_wait3A_488 = arith.constant 0 : i32
        %dma_wait3A_489 = arith.constant 0 : i32
        %dma_wait3A_490 = tpu.memref_slice %arg9[%dma_wait3A_486, %dma_wait3A_488, %dma_wait3A_489] : memref<4x200x64xf32, #tpu.memory_space<vmem>> -> memref<1x200x64xf32, #tpu.memory_space<vmem>>
        %dma_wait3A_491 = tpu.memref_squeeze %dma_wait3A_490 : memref<1x200x64xf32, #tpu.memory_space<vmem>> -> memref<200x64xf32, #tpu.memory_space<vmem>>
        %dma_wait3A_492 = arith.constant 0 : i32
        %dma_wait3A_493 = arith.constant 0 : i32
        %dma_wait3A_494 = tpu.memref_slice %arg5[%mul3A_2, %dma_wait3A_492, %dma_wait3A_493] : memref<1024x200x64xf32, #tpu.memory_space<hbm>> -> memref<1x200x64xf32, #tpu.memory_space<hbm>>
        %dma_wait3A_495 = tpu.memref_squeeze %dma_wait3A_494 : memref<1x200x64xf32, #tpu.memory_space<hbm>> -> memref<200x64xf32, #tpu.memory_space<hbm>>
        %dma_wait3A_496 = tpu.memref_slice %arg11[%dma_wait3A_487] : memref<4x!tpu.dma_semaphore, #tpu.memory_space<semaphore_mem>> -> memref<1x!tpu.dma_semaphore, #tpu.memory_space<semaphore_mem>>
        %dma_wait3A_497 = tpu.memref_squeeze %dma_wait3A_496 : memref<1x!tpu.dma_semaphore, #tpu.memory_space<semaphore_mem>> -> memref<!tpu.dma_semaphore, #tpu.memory_space<semaphore_mem>>
        %dma_wait3A_498 = arith.constant 0 : i32
        %dma_wait3A_499 = arith.constant 0 : i32
        %dma_wait3A_500 = tpu.memref_slice %arg5[%mul3A_2, %dma_wait3A_498, %dma_wait3A_499] : memref<1024x200x64xf32, #tpu.memory_space<hbm>> -> memref<1x200x64xf32, #tpu.memory_space<hbm>>
        %dma_wait3A_501 = tpu.memref_squeeze %dma_wait3A_500 : memref<1x200x64xf32, #tpu.memory_space<hbm>> -> memref<200x64xf32, #tpu.memory_space<hbm>>
        %dma_wait3A_502 = arith.constant 0 : i32
        %dma_wait3A_503 = arith.constant 0 : i32
        %dma_wait3A_504 = tpu.memref_slice %arg9[%dma_wait3A_486, %dma_wait3A_502, %dma_wait3A_503] : memref<4x200x64xf32, #tpu.memory_space<vmem>> -> memref<1x200x64xf32, #tpu.memory_space<vmem>>
        %dma_wait3A_505 = tpu.memref_squeeze %dma_wait3A_504 : memref<1x200x64xf32, #tpu.memory_space<vmem>> -> memref<200x64xf32, #tpu.memory_space<vmem>>
        tpu.wait_dma2 semaphore(%dma_wait3A_497 : memref<!tpu.dma_semaphore, #tpu.memory_space<semaphore_mem>>) src(%dma_wait3A_505 : memref<200x64xf32, #tpu.memory_space<vmem>>) dst(%dma_wait3A_501 : memref<200x64xf32, #tpu.memory_space<hbm>>)
      } else {
      }
      %scan3A_382 = arith.constant 0 : i32
      %scan3A_383 = arith.constant 0 : i32
      %scan3A_384 = arith.constant 200 : i32
      %scan3A_385 = arith.addi %scan3A_383, %scan3A_384 : i32
      %scan3A_386 = arith.constant 1 : i32
      %scan3A_387 = scf.for %scan3A_486 = %scan3A_383 to %scan3A_385 step %scan3A_386 iter_args(%scan3A_487 = %scan3A_382) -> (i32)  : i32 {
        %get3A = arith.constant 2 : i32
        %get3A_488 = arith.index_cast %get3A : i32 to index
        %get3A_489 = arith.index_cast %scan3A_486 : i32 to index
        %get3A_490 = arith.constant 0 : index
        %get3A_491 = tpu.vector_load %arg8[%get3A_488, %get3A_489, %get3A_490] {strides = array<i32>} : memref<4x200x64xf32, #tpu.memory_space<vmem>>, vector<1x1x16xf32>,
        %get3A_492 = vector.shape_cast %get3A_491 : vector<1x1x16xf32> to vector<16xf32>
        %mul3A_493 = arith.constant 8.000000e+00 : f32
        %mul3A_494 = vector.broadcast %mul3A_493 : f32 to vector<16xf32>
        %mul3A_495 = arith.mulf %get3A_492, %mul3A_494 : vector<16xf32>
        %get3A_496 = arith.index_cast %scan3A_486 : i32 to index
        %get3A_497 = arith.constant 0 : index
        %get3A_498 = tpu.vector_load %arg6[%get3A_496, %get3A_497] {strides = array<i32>} : memref<200x64xf32, #tpu.memory_space<vmem>>, vector<1x16xf32>,
        %get3A_499 = vector.shape_cast %get3A_498 : vector<1x16xf32> to vector<16xf32>
        %add3A_500 = arith.addf %mul3A_495, %get3A_499 : vector<16xf32>
        %swap3A = arith.constant 2 : i32
        %swap3A_501 = arith.index_cast %swap3A : i32 to index
        %swap3A_502 = arith.index_cast %scan3A_486 : i32 to index
        %swap3A_503 = arith.constant 0 : index
        %swap3A_504 = tpu.vector_load %arg9[%swap3A_501, %swap3A_502, %swap3A_503] {strides = array<i32>} : memref<4x200x64xf32, #tpu.memory_space<vmem>>, vector<1x1x16xf32>,
        %swap3A_505 = vector.shape_cast %swap3A_504 : vector<1x1x16xf32> to vector<16xf32>
        %swap3A_506 = vector.shape_cast %add3A_500 : vector<16xf32> to vector<1x1x16xf32>
        tpu.vector_store %arg9[%swap3A_501, %swap3A_502, %swap3A_503], %swap3A_506 {strides = array<i32>} : memref<4x200x64xf32, #tpu.memory_space<vmem>>, vector<1x1x16xf32>,
        %get3A_507 = arith.constant 2 : i32
        %get3A_508 = arith.index_cast %get3A_507 : i32 to index
        %get3A_509 = arith.index_cast %scan3A_486 : i32 to index
        %get3A_510 = arith.constant 16 : index
        %get3A_511 = tpu.vector_load %arg8[%get3A_508, %get3A_509, %get3A_510] {strides = array<i32>} : memref<4x200x64xf32, #tpu.memory_space<vmem>>, vector<1x1x16xf32>,
        %get3A_512 = vector.shape_cast %get3A_511 : vector<1x1x16xf32> to vector<16xf32>
        %mul3A_513 = arith.constant 8.000000e+00 : f32
        %mul3A_514 = vector.broadcast %mul3A_513 : f32 to vector<16xf32>
        %mul3A_515 = arith.mulf %get3A_512, %mul3A_514 : vector<16xf32>
        %get3A_516 = arith.index_cast %scan3A_486 : i32 to index
        %get3A_517 = arith.constant 16 : index
        %get3A_518 = tpu.vector_load %arg6[%get3A_516, %get3A_517] {strides = array<i32>} : memref<200x64xf32, #tpu.memory_space<vmem>>, vector<1x16xf32>,
        %get3A_519 = vector.shape_cast %get3A_518 : vector<1x16xf32> to vector<16xf32>
        %add3A_520 = arith.addf %mul3A_515, %get3A_519 : vector<16xf32>
        %swap3A_521 = arith.constant 2 : i32
        %swap3A_522 = arith.index_cast %swap3A_521 : i32 to index
        %swap3A_523 = arith.index_cast %scan3A_486 : i32 to index
        %swap3A_524 = arith.constant 16 : index
        %swap3A_525 = tpu.vector_load %arg9[%swap3A_522, %swap3A_523, %swap3A_524] {strides = array<i32>} : memref<4x200x64xf32, #tpu.memory_space<vmem>>, vector<1x1x16xf32>,
        %swap3A_526 = vector.shape_cast %swap3A_525 : vector<1x1x16xf32> to vector<16xf32>
        %swap3A_527 = vector.shape_cast %add3A_520 : vector<16xf32> to vector<1x1x16xf32>
        tpu.vector_store %arg9[%swap3A_522, %swap3A_523, %swap3A_524], %swap3A_527 {strides = array<i32>} : memref<4x200x64xf32, #tpu.memory_space<vmem>>, vector<1x1x16xf32>,
        %get3A_528 = arith.constant 2 : i32
        %get3A_529 = arith.index_cast %get3A_528 : i32 to index
        %get3A_530 = arith.index_cast %scan3A_486 : i32 to index
        %get3A_531 = arith.constant 32 : index
        %get3A_532 = tpu.vector_load %arg8[%get3A_529, %get3A_530, %get3A_531] {strides = array<i32>} : memref<4x200x64xf32, #tpu.memory_space<vmem>>, vector<1x1x16xf32>,
        %get3A_533 = vector.shape_cast %get3A_532 : vector<1x1x16xf32> to vector<16xf32>
        %mul3A_534 = arith.constant 8.000000e+00 : f32
        %mul3A_535 = vector.broadcast %mul3A_534 : f32 to vector<16xf32>
        %mul3A_536 = arith.mulf %get3A_533, %mul3A_535 : vector<16xf32>
        %get3A_537 = arith.index_cast %scan3A_486 : i32 to index
        %get3A_538 = arith.constant 32 : index
        %get3A_539 = tpu.vector_load %arg6[%get3A_537, %get3A_538] {strides = array<i32>} : memref<200x64xf32, #tpu.memory_space<vmem>>, vector<1x16xf32>,
        %get3A_540 = vector.shape_cast %get3A_539 : vector<1x16xf32> to vector<16xf32>
        %add3A_541 = arith.addf %mul3A_536, %get3A_540 : vector<16xf32>
        %swap3A_542 = arith.constant 2 : i32
        %swap3A_543 = arith.index_cast %swap3A_542 : i32 to index
        %swap3A_544 = arith.index_cast %scan3A_486 : i32 to index
        %swap3A_545 = arith.constant 32 : index
        %swap3A_546 = tpu.vector_load %arg9[%swap3A_543, %swap3A_544, %swap3A_545] {strides = array<i32>} : memref<4x200x64xf32, #tpu.memory_space<vmem>>, vector<1x1x16xf32>,
        %swap3A_547 = vector.shape_cast %swap3A_546 : vector<1x1x16xf32> to vector<16xf32>
        %swap3A_548 = vector.shape_cast %add3A_541 : vector<16xf32> to vector<1x1x16xf32>
        tpu.vector_store %arg9[%swap3A_543, %swap3A_544, %swap3A_545], %swap3A_548 {strides = array<i32>} : memref<4x200x64xf32, #tpu.memory_space<vmem>>, vector<1x1x16xf32>,
        %get3A_549 = arith.constant 2 : i32
        %get3A_550 = arith.index_cast %get3A_549 : i32 to index
        %get3A_551 = arith.index_cast %scan3A_486 : i32 to index
        %get3A_552 = arith.constant 48 : index
        %get3A_553 = tpu.vector_load %arg8[%get3A_550, %get3A_551, %get3A_552] {strides = array<i32>} : memref<4x200x64xf32, #tpu.memory_space<vmem>>, vector<1x1x16xf32>,
        %get3A_554 = vector.shape_cast %get3A_553 : vector<1x1x16xf32> to vector<16xf32>
        %mul3A_555 = arith.constant 8.000000e+00 : f32
        %mul3A_556 = vector.broadcast %mul3A_555 : f32 to vector<16xf32>
        %mul3A_557 = arith.mulf %get3A_554, %mul3A_556 : vector<16xf32>
        %get3A_558 = arith.index_cast %scan3A_486 : i32 to index
        %get3A_559 = arith.constant 48 : index
        %get3A_560 = tpu.vector_load %arg6[%get3A_558, %get3A_559] {strides = array<i32>} : memref<200x64xf32, #tpu.memory_space<vmem>>, vector<1x16xf32>,
        %get3A_561 = vector.shape_cast %get3A_560 : vector<1x16xf32> to vector<16xf32>
        %add3A_562 = arith.addf %mul3A_557, %get3A_561 : vector<16xf32>
        %swap3A_563 = arith.constant 2 : i32
        %swap3A_564 = arith.index_cast %swap3A_563 : i32 to index
        %swap3A_565 = arith.index_cast %scan3A_486 : i32 to index
        %swap3A_566 = arith.constant 48 : index
        %swap3A_567 = tpu.vector_load %arg9[%swap3A_564, %swap3A_565, %swap3A_566] {strides = array<i32>} : memref<4x200x64xf32, #tpu.memory_space<vmem>>, vector<1x1x16xf32>,
        %swap3A_568 = vector.shape_cast %swap3A_567 : vector<1x1x16xf32> to vector<16xf32>
        %swap3A_569 = vector.shape_cast %add3A_562 : vector<16xf32> to vector<1x1x16xf32>
        tpu.vector_store %arg9[%swap3A_564, %swap3A_565, %swap3A_566], %swap3A_569 {strides = array<i32>} : memref<4x200x64xf32, #tpu.memory_space<vmem>>, vector<1x1x16xf32>,
        %scan3A_570 = arith.constant 0 : i32
        scf.yield %scan3A_570 : i32
      }
      %scan3A_388 = arith.constant 200 : i32
      %lt3A_389 = arith.constant 7 : i32
      %lt3A_390 = arith.cmpi slt, %scan3A_207, %lt3A_389 : i32
      %convert_element_type3A_391 = arith.extui %lt3A_390 : i1 to i32
      %cond3A_392 = arith.constant 0 : i32
      %cond3A_393 = arith.cmpi ne, %convert_element_type3A_391, %cond3A_392 : i32
      scf.if %cond3A_393 {
        %add3A_486 = arith.constant 4 : i32
        %add3A_487 = arith.addi %add3A_348, %add3A_486 : i32
        %dma_start3A_488 = arith.constant 2 : i32
        %dma_start3A_489 = arith.constant 2 : i32
        %dma_start3A_490 = arith.constant 0 : i32
        %dma_start3A_491 = arith.constant 0 : i32
        %dma_start3A_492 = tpu.memref_slice %arg8[%dma_start3A_488, %dma_start3A_490, %dma_start3A_491] : memref<4x200x64xf32, #tpu.memory_space<vmem>> -> memref<1x128x64xf32, #tpu.memory_space<vmem>>
        %dma_start3A_493 = tpu.memref_squeeze %dma_start3A_492 : memref<1x128x64xf32, #tpu.memory_space<vmem>> -> memref<128x64xf32, #tpu.memory_space<vmem>>
        %dma_start3A_494 = arith.constant 0 : i32
        %dma_start3A_495 = tpu.memref_slice %arg7[%add3A_487, %dma_start3A_494] : memref<32x200xi32, #tpu.memory_space<vmem>> -> memref<1x128xi32, #tpu.memory_space<vmem>>
        %dma_start3A_496 = tpu.memref_squeeze %dma_start3A_495 : memref<1x128xi32, #tpu.memory_space<vmem>> -> memref<128xi32, #tpu.memory_space<vmem>>
        %dma_start3A_497 = arith.constant 0 : i32
        %dma_start3A_498 = arith.constant 0 : i32
        %dma_start3A_499 = tpu.memref_slice %arg3[%dma_start3A_497, %dma_start3A_498] : memref<1000000x64xf32, #tpu.memory_space<hbm>> -> memref<1000000x64xf32, #tpu.memory_space<hbm>>
        %dma_start3A_500 = tpu.memref_slice %arg10[%dma_start3A_489] : memref<4x!tpu.dma_semaphore, #tpu.memory_space<semaphore_mem>> -> memref<1x!tpu.dma_semaphore, #tpu.memory_space<semaphore_mem>>
        %dma_start3A_501 = tpu.memref_squeeze %dma_start3A_500 : memref<1x!tpu.dma_semaphore, #tpu.memory_space<semaphore_mem>> -> memref<!tpu.dma_semaphore, #tpu.memory_space<semaphore_mem>>
        tpu.enqueue_indirect_dma source(%dma_start3A_499 : memref<1000000x64xf32, #tpu.memory_space<hbm>>) target(%dma_start3A_493 : memref<128x64xf32, #tpu.memory_space<vmem>>) offsets(%dma_start3A_496 : memref<128xi32, #tpu.memory_space<vmem>>) semaphore(%dma_start3A_501 : memref<!tpu.dma_semaphore, #tpu.memory_space<semaphore_mem>>)
        %dma_start3A_502 = arith.constant 2 : i32
        %dma_start3A_503 = arith.constant 2 : i32
        %dma_start3A_504 = arith.constant 128 : i32
        %dma_start3A_505 = arith.constant 0 : i32
        %dma_start3A_506 = tpu.memref_slice %arg8[%dma_start3A_502, %dma_start3A_504, %dma_start3A_505] : memref<4x200x64xf32, #tpu.memory_space<vmem>> -> memref<1x72x64xf32, #tpu.memory_space<vmem>>
        %dma_start3A_507 = tpu.memref_squeeze %dma_start3A_506 : memref<1x72x64xf32, #tpu.memory_space<vmem>> -> memref<72x64xf32, #tpu.memory_space<vmem>>
        %dma_start3A_508 = arith.constant 128 : i32
        %dma_start3A_509 = tpu.memref_slice %arg7[%add3A_487, %dma_start3A_508] : memref<32x200xi32, #tpu.memory_space<vmem>> -> memref<1x72xi32, #tpu.memory_space<vmem>>
        %dma_start3A_510 = tpu.memref_squeeze %dma_start3A_509 : memref<1x72xi32, #tpu.memory_space<vmem>> -> memref<72xi32, #tpu.memory_space<vmem>>
        %dma_start3A_511 = arith.constant 0 : i32
        %dma_start3A_512 = arith.constant 0 : i32
        %dma_start3A_513 = tpu.memref_slice %arg3[%dma_start3A_511, %dma_start3A_512] : memref<1000000x64xf32, #tpu.memory_space<hbm>> -> memref<1000000x64xf32, #tpu.memory_space<hbm>>
        %dma_start3A_514 = tpu.memref_slice %arg10[%dma_start3A_503] : memref<4x!tpu.dma_semaphore, #tpu.memory_space<semaphore_mem>> -> memref<1x!tpu.dma_semaphore, #tpu.memory_space<semaphore_mem>>
        %dma_start3A_515 = tpu.memref_squeeze %dma_start3A_514 : memref<1x!tpu.dma_semaphore, #tpu.memory_space<semaphore_mem>> -> memref<!tpu.dma_semaphore, #tpu.memory_space<semaphore_mem>>
        tpu.enqueue_indirect_dma source(%dma_start3A_513 : memref<1000000x64xf32, #tpu.memory_space<hbm>>) target(%dma_start3A_507 : memref<72x64xf32, #tpu.memory_space<vmem>>) offsets(%dma_start3A_510 : memref<72xi32, #tpu.memory_space<vmem>>) semaphore(%dma_start3A_515 : memref<!tpu.dma_semaphore, #tpu.memory_space<semaphore_mem>>)
      } else {
      }
      %add3A_394 = arith.addi %mul3A_2, %add3A_348 : i32
      %dma_start3A_395 = arith.constant 2 : i32
      %dma_start3A_396 = arith.constant 2 : i32
      %dma_start3A_397 = arith.constant 0 : i32
      %dma_start3A_398 = arith.constant 0 : i32
      %dma_start3A_399 = tpu.memref_slice %arg9[%dma_start3A_395, %dma_start3A_397, %dma_start3A_398] : memref<4x200x64xf32, #tpu.memory_space<vmem>> -> memref<1x200x64xf32, #tpu.memory_space<vmem>>
      %dma_start3A_400 = tpu.memref_squeeze %dma_start3A_399 : memref<1x200x64xf32, #tpu.memory_space<vmem>> -> memref<200x64xf32, #tpu.memory_space<vmem>>
      %dma_start3A_401 = arith.constant 0 : i32
      %dma_start3A_402 = arith.constant 0 : i32
      %dma_start3A_403 = tpu.memref_slice %arg5[%add3A_394, %dma_start3A_401, %dma_start3A_402] : memref<1024x200x64xf32, #tpu.memory_space<hbm>> -> memref<1x200x64xf32, #tpu.memory_space<hbm>>
      %dma_start3A_404 = tpu.memref_squeeze %dma_start3A_403 : memref<1x200x64xf32, #tpu.memory_space<hbm>> -> memref<200x64xf32, #tpu.memory_space<hbm>>
      %dma_start3A_405 = tpu.memref_slice %arg11[%dma_start3A_396] : memref<4x!tpu.dma_semaphore, #tpu.memory_space<semaphore_mem>> -> memref<1x!tpu.dma_semaphore, #tpu.memory_space<semaphore_mem>>
      %dma_start3A_406 = tpu.memref_squeeze %dma_start3A_405 : memref<1x!tpu.dma_semaphore, #tpu.memory_space<semaphore_mem>> -> memref<!tpu.dma_semaphore, #tpu.memory_space<semaphore_mem>>
      %dma_start3A_407 = arith.constant 0 : i32
      %dma_start3A_408 = arith.constant 0 : i32
      %dma_start3A_409 = tpu.memref_slice %arg5[%add3A_394, %dma_start3A_407, %dma_start3A_408] : memref<1024x200x64xf32, #tpu.memory_space<hbm>> -> memref<1x200x64xf32, #tpu.memory_space<hbm>>
      %dma_start3A_410 = tpu.memref_squeeze %dma_start3A_409 : memref<1x200x64xf32, #tpu.memory_space<hbm>> -> memref<200x64xf32, #tpu.memory_space<hbm>>
      %dma_start3A_411 = arith.constant 0 : i32
      %dma_start3A_412 = arith.constant 0 : i32
      %dma_start3A_413 = tpu.memref_slice %arg9[%dma_start3A_395, %dma_start3A_411, %dma_start3A_412] : memref<4x200x64xf32, #tpu.memory_space<vmem>> -> memref<1x200x64xf32, #tpu.memory_space<vmem>>
      %dma_start3A_414 = tpu.memref_squeeze %dma_start3A_413 : memref<1x200x64xf32, #tpu.memory_space<vmem>> -> memref<200x64xf32, #tpu.memory_space<vmem>>
      tpu.enqueue_dma source(%dma_start3A_414 : memref<200x64xf32, #tpu.memory_space<vmem>>) target(%dma_start3A_410 : memref<200x64xf32, #tpu.memory_space<hbm>>) target_semaphore(%dma_start3A_406 : memref<!tpu.dma_semaphore, #tpu.memory_space<semaphore_mem>>)
      %mul3A_415 = arith.constant 4 : i32
      %mul3A_416 = arith.muli %scan3A_207, %mul3A_415 : i32
      %add3A_417 = arith.constant 3 : i32
      %add3A_418 = arith.addi %mul3A_416, %add3A_417 : i32
      %dma_wait3A_419 = arith.constant 3 : i32
      %dma_wait3A_420 = arith.constant 3 : i32
      %dma_wait3A_421 = arith.constant 0 : i32
      %dma_wait3A_422 = arith.constant 0 : i32
      %dma_wait3A_423 = tpu.memref_slice %arg8[%dma_wait3A_419, %dma_wait3A_421, %dma_wait3A_422] : memref<4x200x64xf32, #tpu.memory_space<vmem>> -> memref<1x128x64xf32, #tpu.memory_space<vmem>>
      %dma_wait3A_424 = tpu.memref_squeeze %dma_wait3A_423 : memref<1x128x64xf32, #tpu.memory_space<vmem>> -> memref<128x64xf32, #tpu.memory_space<vmem>>
      %dma_wait3A_425 = arith.constant 0 : i32
      %dma_wait3A_426 = tpu.memref_slice %arg7[%add3A_418, %dma_wait3A_425] : memref<32x200xi32, #tpu.memory_space<vmem>> -> memref<1x128xi32, #tpu.memory_space<vmem>>
      %dma_wait3A_427 = tpu.memref_squeeze %dma_wait3A_426 : memref<1x128xi32, #tpu.memory_space<vmem>> -> memref<128xi32, #tpu.memory_space<vmem>>
      %dma_wait3A_428 = arith.constant 0 : i32
      %dma_wait3A_429 = arith.constant 0 : i32
      %dma_wait3A_430 = tpu.memref_slice %arg3[%dma_wait3A_428, %dma_wait3A_429] : memref<1000000x64xf32, #tpu.memory_space<hbm>> -> memref<1000000x64xf32, #tpu.memory_space<hbm>>
      %dma_wait3A_431 = tpu.memref_slice %arg10[%dma_wait3A_420] : memref<4x!tpu.dma_semaphore, #tpu.memory_space<semaphore_mem>> -> memref<1x!tpu.dma_semaphore, #tpu.memory_space<semaphore_mem>>
      %dma_wait3A_432 = tpu.memref_squeeze %dma_wait3A_431 : memref<1x!tpu.dma_semaphore, #tpu.memory_space<semaphore_mem>> -> memref<!tpu.dma_semaphore, #tpu.memory_space<semaphore_mem>>
      tpu.wait_indirect_dma semaphore(%dma_wait3A_432 : memref<!tpu.dma_semaphore, #tpu.memory_space<semaphore_mem>>) src(%dma_wait3A_430 : memref<1000000x64xf32, #tpu.memory_space<hbm>>) dst(%dma_wait3A_424 : memref<128x64xf32, #tpu.memory_space<vmem>>)
      %dma_wait3A_433 = arith.constant 3 : i32
      %dma_wait3A_434 = arith.constant 3 : i32
      %dma_wait3A_435 = arith.constant 128 : i32
      %dma_wait3A_436 = arith.constant 0 : i32
      %dma_wait3A_437 = tpu.memref_slice %arg8[%dma_wait3A_433, %dma_wait3A_435, %dma_wait3A_436] : memref<4x200x64xf32, #tpu.memory_space<vmem>> -> memref<1x72x64xf32, #tpu.memory_space<vmem>>
      %dma_wait3A_438 = tpu.memref_squeeze %dma_wait3A_437 : memref<1x72x64xf32, #tpu.memory_space<vmem>> -> memref<72x64xf32, #tpu.memory_space<vmem>>
      %dma_wait3A_439 = arith.constant 128 : i32
      %dma_wait3A_440 = tpu.memref_slice %arg7[%add3A_418, %dma_wait3A_439] : memref<32x200xi32, #tpu.memory_space<vmem>> -> memref<1x72xi32, #tpu.memory_space<vmem>>
      %dma_wait3A_441 = tpu.memref_squeeze %dma_wait3A_440 : memref<1x72xi32, #tpu.memory_space<vmem>> -> memref<72xi32, #tpu.memory_space<vmem>>
      %dma_wait3A_442 = arith.constant 0 : i32
      %dma_wait3A_443 = arith.constant 0 : i32
      %dma_wait3A_444 = tpu.memref_slice %arg3[%dma_wait3A_442, %dma_wait3A_443] : memref<1000000x64xf32, #tpu.memory_space<hbm>> -> memref<1000000x64xf32, #tpu.memory_space<hbm>>
      %dma_wait3A_445 = tpu.memref_slice %arg10[%dma_wait3A_434] : memref<4x!tpu.dma_semaphore, #tpu.memory_space<semaphore_mem>> -> memref<1x!tpu.dma_semaphore, #tpu.memory_space<semaphore_mem>>
      %dma_wait3A_446 = tpu.memref_squeeze %dma_wait3A_445 : memref<1x!tpu.dma_semaphore, #tpu.memory_space<semaphore_mem>> -> memref<!tpu.dma_semaphore, #tpu.memory_space<semaphore_mem>>
      tpu.wait_indirect_dma semaphore(%dma_wait3A_446 : memref<!tpu.dma_semaphore, #tpu.memory_space<semaphore_mem>>) src(%dma_wait3A_444 : memref<1000000x64xf32, #tpu.memory_space<hbm>>) dst(%dma_wait3A_438 : memref<72x64xf32, #tpu.memory_space<vmem>>)
      %gt3A_447 = arith.constant 0 : i32
      %gt3A_448 = arith.cmpi sgt, %scan3A_207, %gt3A_447 : i32
      %convert_element_type3A_449 = arith.extui %gt3A_448 : i1 to i32
      %cond3A_450 = arith.constant 0 : i32
      %cond3A_451 = arith.cmpi ne, %convert_element_type3A_449, %cond3A_450 : i32
      scf.if %cond3A_451 {
        %dma_wait3A_486 = arith.constant 3 : i32
        %dma_wait3A_487 = arith.constant 3 : i32
        %dma_wait3A_488 = arith.constant 0 : i32
        %dma_wait3A_489 = arith.constant 0 : i32
        %dma_wait3A_490 = tpu.memref_slice %arg9[%dma_wait3A_486, %dma_wait3A_488, %dma_wait3A_489] : memref<4x200x64xf32, #tpu.memory_space<vmem>> -> memref<1x200x64xf32, #tpu.memory_space<vmem>>
        %dma_wait3A_491 = tpu.memref_squeeze %dma_wait3A_490 : memref<1x200x64xf32, #tpu.memory_space<vmem>> -> memref<200x64xf32, #tpu.memory_space<vmem>>
        %dma_wait3A_492 = arith.constant 0 : i32
        %dma_wait3A_493 = arith.constant 0 : i32
        %dma_wait3A_494 = tpu.memref_slice %arg5[%mul3A_2, %dma_wait3A_492, %dma_wait3A_493] : memref<1024x200x64xf32, #tpu.memory_space<hbm>> -> memref<1x200x64xf32, #tpu.memory_space<hbm>>
        %dma_wait3A_495 = tpu.memref_squeeze %dma_wait3A_494 : memref<1x200x64xf32, #tpu.memory_space<hbm>> -> memref<200x64xf32, #tpu.memory_space<hbm>>
        %dma_wait3A_496 = tpu.memref_slice %arg11[%dma_wait3A_487] : memref<4x!tpu.dma_semaphore, #tpu.memory_space<semaphore_mem>> -> memref<1x!tpu.dma_semaphore, #tpu.memory_space<semaphore_mem>>
        %dma_wait3A_497 = tpu.memref_squeeze %dma_wait3A_496 : memref<1x!tpu.dma_semaphore, #tpu.memory_space<semaphore_mem>> -> memref<!tpu.dma_semaphore, #tpu.memory_space<semaphore_mem>>
        %dma_wait3A_498 = arith.constant 0 : i32
        %dma_wait3A_499 = arith.constant 0 : i32
        %dma_wait3A_500 = tpu.memref_slice %arg5[%mul3A_2, %dma_wait3A_498, %dma_wait3A_499] : memref<1024x200x64xf32, #tpu.memory_space<hbm>> -> memref<1x200x64xf32, #tpu.memory_space<hbm>>
        %dma_wait3A_501 = tpu.memref_squeeze %dma_wait3A_500 : memref<1x200x64xf32, #tpu.memory_space<hbm>> -> memref<200x64xf32, #tpu.memory_space<hbm>>
        %dma_wait3A_502 = arith.constant 0 : i32
        %dma_wait3A_503 = arith.constant 0 : i32
        %dma_wait3A_504 = tpu.memref_slice %arg9[%dma_wait3A_486, %dma_wait3A_502, %dma_wait3A_503] : memref<4x200x64xf32, #tpu.memory_space<vmem>> -> memref<1x200x64xf32, #tpu.memory_space<vmem>>
        %dma_wait3A_505 = tpu.memref_squeeze %dma_wait3A_504 : memref<1x200x64xf32, #tpu.memory_space<vmem>> -> memref<200x64xf32, #tpu.memory_space<vmem>>
        tpu.wait_dma2 semaphore(%dma_wait3A_497 : memref<!tpu.dma_semaphore, #tpu.memory_space<semaphore_mem>>) src(%dma_wait3A_505 : memref<200x64xf32, #tpu.memory_space<vmem>>) dst(%dma_wait3A_501 : memref<200x64xf32, #tpu.memory_space<hbm>>)
      } else {
      }
      %scan3A_452 = arith.constant 0 : i32
      %scan3A_453 = arith.constant 0 : i32
      %scan3A_454 = arith.constant 200 : i32
      %scan3A_455 = arith.addi %scan3A_453, %scan3A_454 : i32
      %scan3A_456 = arith.constant 1 : i32
      %scan3A_457 = scf.for %scan3A_486 = %scan3A_453 to %scan3A_455 step %scan3A_456 iter_args(%scan3A_487 = %scan3A_452) -> (i32)  : i32 {
        %get3A = arith.constant 3 : i32
        %get3A_488 = arith.index_cast %get3A : i32 to index
        %get3A_489 = arith.index_cast %scan3A_486 : i32 to index
        %get3A_490 = arith.constant 0 : index
        %get3A_491 = tpu.vector_load %arg8[%get3A_488, %get3A_489, %get3A_490] {strides = array<i32>} : memref<4x200x64xf32, #tpu.memory_space<vmem>>, vector<1x1x16xf32>,
        %get3A_492 = vector.shape_cast %get3A_491 : vector<1x1x16xf32> to vector<16xf32>
        %mul3A_493 = arith.constant 8.000000e+00 : f32
        %mul3A_494 = vector.broadcast %mul3A_493 : f32 to vector<16xf32>
        %mul3A_495 = arith.mulf %get3A_492, %mul3A_494 : vector<16xf32>
        %get3A_496 = arith.index_cast %scan3A_486 : i32 to index
        %get3A_497 = arith.constant 0 : index
        %get3A_498 = tpu.vector_load %arg6[%get3A_496, %get3A_497] {strides = array<i32>} : memref<200x64xf32, #tpu.memory_space<vmem>>, vector<1x16xf32>,
        %get3A_499 = vector.shape_cast %get3A_498 : vector<1x16xf32> to vector<16xf32>
        %add3A_500 = arith.addf %mul3A_495, %get3A_499 : vector<16xf32>
        %swap3A = arith.constant 3 : i32
        %swap3A_501 = arith.index_cast %swap3A : i32 to index
        %swap3A_502 = arith.index_cast %scan3A_486 : i32 to index
        %swap3A_503 = arith.constant 0 : index
        %swap3A_504 = tpu.vector_load %arg9[%swap3A_501, %swap3A_502, %swap3A_503] {strides = array<i32>} : memref<4x200x64xf32, #tpu.memory_space<vmem>>, vector<1x1x16xf32>,
        %swap3A_505 = vector.shape_cast %swap3A_504 : vector<1x1x16xf32> to vector<16xf32>
        %swap3A_506 = vector.shape_cast %add3A_500 : vector<16xf32> to vector<1x1x16xf32>
        tpu.vector_store %arg9[%swap3A_501, %swap3A_502, %swap3A_503], %swap3A_506 {strides = array<i32>} : memref<4x200x64xf32, #tpu.memory_space<vmem>>, vector<1x1x16xf32>,
        %get3A_507 = arith.constant 3 : i32
        %get3A_508 = arith.index_cast %get3A_507 : i32 to index
        %get3A_509 = arith.index_cast %scan3A_486 : i32 to index
        %get3A_510 = arith.constant 16 : index
        %get3A_511 = tpu.vector_load %arg8[%get3A_508, %get3A_509, %get3A_510] {strides = array<i32>} : memref<4x200x64xf32, #tpu.memory_space<vmem>>, vector<1x1x16xf32>,
        %get3A_512 = vector.shape_cast %get3A_511 : vector<1x1x16xf32> to vector<16xf32>
        %mul3A_513 = arith.constant 8.000000e+00 : f32
        %mul3A_514 = vector.broadcast %mul3A_513 : f32 to vector<16xf32>
        %mul3A_515 = arith.mulf %get3A_512, %mul3A_514 : vector<16xf32>
        %get3A_516 = arith.index_cast %scan3A_486 : i32 to index
        %get3A_517 = arith.constant 16 : index
        %get3A_518 = tpu.vector_load %arg6[%get3A_516, %get3A_517] {strides = array<i32>} : memref<200x64xf32, #tpu.memory_space<vmem>>, vector<1x16xf32>,
        %get3A_519 = vector.shape_cast %get3A_518 : vector<1x16xf32> to vector<16xf32>
        %add3A_520 = arith.addf %mul3A_515, %get3A_519 : vector<16xf32>
        %swap3A_521 = arith.constant 3 : i32
        %swap3A_522 = arith.index_cast %swap3A_521 : i32 to index
        %swap3A_523 = arith.index_cast %scan3A_486 : i32 to index
        %swap3A_524 = arith.constant 16 : index
        %swap3A_525 = tpu.vector_load %arg9[%swap3A_522, %swap3A_523, %swap3A_524] {strides = array<i32>} : memref<4x200x64xf32, #tpu.memory_space<vmem>>, vector<1x1x16xf32>,
        %swap3A_526 = vector.shape_cast %swap3A_525 : vector<1x1x16xf32> to vector<16xf32>
        %swap3A_527 = vector.shape_cast %add3A_520 : vector<16xf32> to vector<1x1x16xf32>
        tpu.vector_store %arg9[%swap3A_522, %swap3A_523, %swap3A_524], %swap3A_527 {strides = array<i32>} : memref<4x200x64xf32, #tpu.memory_space<vmem>>, vector<1x1x16xf32>,
        %get3A_528 = arith.constant 3 : i32
        %get3A_529 = arith.index_cast %get3A_528 : i32 to index
        %get3A_530 = arith.index_cast %scan3A_486 : i32 to index
        %get3A_531 = arith.constant 32 : index
        %get3A_532 = tpu.vector_load %arg8[%get3A_529, %get3A_530, %get3A_531] {strides = array<i32>} : memref<4x200x64xf32, #tpu.memory_space<vmem>>, vector<1x1x16xf32>,
        %get3A_533 = vector.shape_cast %get3A_532 : vector<1x1x16xf32> to vector<16xf32>
        %mul3A_534 = arith.constant 8.000000e+00 : f32
        %mul3A_535 = vector.broadcast %mul3A_534 : f32 to vector<16xf32>
        %mul3A_536 = arith.mulf %get3A_533, %mul3A_535 : vector<16xf32>
        %get3A_537 = arith.index_cast %scan3A_486 : i32 to index
        %get3A_538 = arith.constant 32 : index
        %get3A_539 = tpu.vector_load %arg6[%get3A_537, %get3A_538] {strides = array<i32>} : memref<200x64xf32, #tpu.memory_space<vmem>>, vector<1x16xf32>,
        %get3A_540 = vector.shape_cast %get3A_539 : vector<1x16xf32> to vector<16xf32>
        %add3A_541 = arith.addf %mul3A_536, %get3A_540 : vector<16xf32>
        %swap3A_542 = arith.constant 3 : i32
        %swap3A_543 = arith.index_cast %swap3A_542 : i32 to index
        %swap3A_544 = arith.index_cast %scan3A_486 : i32 to index
        %swap3A_545 = arith.constant 32 : index
        %swap3A_546 = tpu.vector_load %arg9[%swap3A_543, %swap3A_544, %swap3A_545] {strides = array<i32>} : memref<4x200x64xf32, #tpu.memory_space<vmem>>, vector<1x1x16xf32>,
        %swap3A_547 = vector.shape_cast %swap3A_546 : vector<1x1x16xf32> to vector<16xf32>
        %swap3A_548 = vector.shape_cast %add3A_541 : vector<16xf32> to vector<1x1x16xf32>
        tpu.vector_store %arg9[%swap3A_543, %swap3A_544, %swap3A_545], %swap3A_548 {strides = array<i32>} : memref<4x200x64xf32, #tpu.memory_space<vmem>>, vector<1x1x16xf32>,
        %get3A_549 = arith.constant 3 : i32
        %get3A_550 = arith.index_cast %get3A_549 : i32 to index
        %get3A_551 = arith.index_cast %scan3A_486 : i32 to index
        %get3A_552 = arith.constant 48 : index
        %get3A_553 = tpu.vector_load %arg8[%get3A_550, %get3A_551, %get3A_552] {strides = array<i32>} : memref<4x200x64xf32, #tpu.memory_space<vmem>>, vector<1x1x16xf32>,
        %get3A_554 = vector.shape_cast %get3A_553 : vector<1x1x16xf32> to vector<16xf32>
        %mul3A_555 = arith.constant 8.000000e+00 : f32
        %mul3A_556 = vector.broadcast %mul3A_555 : f32 to vector<16xf32>
        %mul3A_557 = arith.mulf %get3A_554, %mul3A_556 : vector<16xf32>
        %get3A_558 = arith.index_cast %scan3A_486 : i32 to index
        %get3A_559 = arith.constant 48 : index
        %get3A_560 = tpu.vector_load %arg6[%get3A_558, %get3A_559] {strides = array<i32>} : memref<200x64xf32, #tpu.memory_space<vmem>>, vector<1x16xf32>,
        %get3A_561 = vector.shape_cast %get3A_560 : vector<1x16xf32> to vector<16xf32>
        %add3A_562 = arith.addf %mul3A_557, %get3A_561 : vector<16xf32>
        %swap3A_563 = arith.constant 3 : i32
        %swap3A_564 = arith.index_cast %swap3A_563 : i32 to index
        %swap3A_565 = arith.index_cast %scan3A_486 : i32 to index
        %swap3A_566 = arith.constant 48 : index
        %swap3A_567 = tpu.vector_load %arg9[%swap3A_564, %swap3A_565, %swap3A_566] {strides = array<i32>} : memref<4x200x64xf32, #tpu.memory_space<vmem>>, vector<1x1x16xf32>,
        %swap3A_568 = vector.shape_cast %swap3A_567 : vector<1x1x16xf32> to vector<16xf32>
        %swap3A_569 = vector.shape_cast %add3A_562 : vector<16xf32> to vector<1x1x16xf32>
        tpu.vector_store %arg9[%swap3A_564, %swap3A_565, %swap3A_566], %swap3A_569 {strides = array<i32>} : memref<4x200x64xf32, #tpu.memory_space<vmem>>, vector<1x1x16xf32>,
        %scan3A_570 = arith.constant 0 : i32
        scf.yield %scan3A_570 : i32
      }
      %scan3A_458 = arith.constant 200 : i32
      %lt3A_459 = arith.constant 7 : i32
      %lt3A_460 = arith.cmpi slt, %scan3A_207, %lt3A_459 : i32
      %convert_element_type3A_461 = arith.extui %lt3A_460 : i1 to i32
      %cond3A_462 = arith.constant 0 : i32
      %cond3A_463 = arith.cmpi ne, %convert_element_type3A_461, %cond3A_462 : i32
      scf.if %cond3A_463 {
        %add3A_486 = arith.constant 4 : i32
        %add3A_487 = arith.addi %add3A_418, %add3A_486 : i32
        %dma_start3A_488 = arith.constant 3 : i32
        %dma_start3A_489 = arith.constant 3 : i32
        %dma_start3A_490 = arith.constant 0 : i32
        %dma_start3A_491 = arith.constant 0 : i32
        %dma_start3A_492 = tpu.memref_slice %arg8[%dma_start3A_488, %dma_start3A_490, %dma_start3A_491] : memref<4x200x64xf32, #tpu.memory_space<vmem>> -> memref<1x128x64xf32, #tpu.memory_space<vmem>>
        %dma_start3A_493 = tpu.memref_squeeze %dma_start3A_492 : memref<1x128x64xf32, #tpu.memory_space<vmem>> -> memref<128x64xf32, #tpu.memory_space<vmem>>
        %dma_start3A_494 = arith.constant 0 : i32
        %dma_start3A_495 = tpu.memref_slice %arg7[%add3A_487, %dma_start3A_494] : memref<32x200xi32, #tpu.memory_space<vmem>> -> memref<1x128xi32, #tpu.memory_space<vmem>>
        %dma_start3A_496 = tpu.memref_squeeze %dma_start3A_495 : memref<1x128xi32, #tpu.memory_space<vmem>> -> memref<128xi32, #tpu.memory_space<vmem>>
        %dma_start3A_497 = arith.constant 0 : i32
        %dma_start3A_498 = arith.constant 0 : i32
        %dma_start3A_499 = tpu.memref_slice %arg3[%dma_start3A_497, %dma_start3A_498] : memref<1000000x64xf32, #tpu.memory_space<hbm>> -> memref<1000000x64xf32, #tpu.memory_space<hbm>>
        %dma_start3A_500 = tpu.memref_slice %arg10[%dma_start3A_489] : memref<4x!tpu.dma_semaphore, #tpu.memory_space<semaphore_mem>> -> memref<1x!tpu.dma_semaphore, #tpu.memory_space<semaphore_mem>>
        %dma_start3A_501 = tpu.memref_squeeze %dma_start3A_500 : memref<1x!tpu.dma_semaphore, #tpu.memory_space<semaphore_mem>> -> memref<!tpu.dma_semaphore, #tpu.memory_space<semaphore_mem>>
        tpu.enqueue_indirect_dma source(%dma_start3A_499 : memref<1000000x64xf32, #tpu.memory_space<hbm>>) target(%dma_start3A_493 : memref<128x64xf32, #tpu.memory_space<vmem>>) offsets(%dma_start3A_496 : memref<128xi32, #tpu.memory_space<vmem>>) semaphore(%dma_start3A_501 : memref<!tpu.dma_semaphore, #tpu.memory_space<semaphore_mem>>)
        %dma_start3A_502 = arith.constant 3 : i32
        %dma_start3A_503 = arith.constant 3 : i32
        %dma_start3A_504 = arith.constant 128 : i32
        %dma_start3A_505 = arith.constant 0 : i32
        %dma_start3A_506 = tpu.memref_slice %arg8[%dma_start3A_502, %dma_start3A_504, %dma_start3A_505] : memref<4x200x64xf32, #tpu.memory_space<vmem>> -> memref<1x72x64xf32, #tpu.memory_space<vmem>>
        %dma_start3A_507 = tpu.memref_squeeze %dma_start3A_506 : memref<1x72x64xf32, #tpu.memory_space<vmem>> -> memref<72x64xf32, #tpu.memory_space<vmem>>
        %dma_start3A_508 = arith.constant 128 : i32
        %dma_start3A_509 = tpu.memref_slice %arg7[%add3A_487, %dma_start3A_508] : memref<32x200xi32, #tpu.memory_space<vmem>> -> memref<1x72xi32, #tpu.memory_space<vmem>>
        %dma_start3A_510 = tpu.memref_squeeze %dma_start3A_509 : memref<1x72xi32, #tpu.memory_space<vmem>> -> memref<72xi32, #tpu.memory_space<vmem>>
        %dma_start3A_511 = arith.constant 0 : i32
        %dma_start3A_512 = arith.constant 0 : i32
        %dma_start3A_513 = tpu.memref_slice %arg3[%dma_start3A_511, %dma_start3A_512] : memref<1000000x64xf32, #tpu.memory_space<hbm>> -> memref<1000000x64xf32, #tpu.memory_space<hbm>>
        %dma_start3A_514 = tpu.memref_slice %arg10[%dma_start3A_503] : memref<4x!tpu.dma_semaphore, #tpu.memory_space<semaphore_mem>> -> memref<1x!tpu.dma_semaphore, #tpu.memory_space<semaphore_mem>>
        %dma_start3A_515 = tpu.memref_squeeze %dma_start3A_514 : memref<1x!tpu.dma_semaphore, #tpu.memory_space<semaphore_mem>> -> memref<!tpu.dma_semaphore, #tpu.memory_space<semaphore_mem>>
        tpu.enqueue_indirect_dma source(%dma_start3A_513 : memref<1000000x64xf32, #tpu.memory_space<hbm>>) target(%dma_start3A_507 : memref<72x64xf32, #tpu.memory_space<vmem>>) offsets(%dma_start3A_510 : memref<72xi32, #tpu.memory_space<vmem>>) semaphore(%dma_start3A_515 : memref<!tpu.dma_semaphore, #tpu.memory_space<semaphore_mem>>)
      } else {
      }
      %add3A_464 = arith.addi %mul3A_2, %add3A_418 : i32
      %dma_start3A_465 = arith.constant 3 : i32
      %dma_start3A_466 = arith.constant 3 : i32
      %dma_start3A_467 = arith.constant 0 : i32
      %dma_start3A_468 = arith.constant 0 : i32
      %dma_start3A_469 = tpu.memref_slice %arg9[%dma_start3A_465, %dma_start3A_467, %dma_start3A_468] : memref<4x200x64xf32, #tpu.memory_space<vmem>> -> memref<1x200x64xf32, #tpu.memory_space<vmem>>
      %dma_start3A_470 = tpu.memref_squeeze %dma_start3A_469 : memref<1x200x64xf32, #tpu.memory_space<vmem>> -> memref<200x64xf32, #tpu.memory_space<vmem>>
      %dma_start3A_471 = arith.constant 0 : i32
      %dma_start3A_472 = arith.constant 0 : i32
      %dma_start3A_473 = tpu.memref_slice %arg5[%add3A_464, %dma_start3A_471, %dma_start3A_472] : memref<1024x200x64xf32, #tpu.memory_space<hbm>> -> memref<1x200x64xf32, #tpu.memory_space<hbm>>
      %dma_start3A_474 = tpu.memref_squeeze %dma_start3A_473 : memref<1x200x64xf32, #tpu.memory_space<hbm>> -> memref<200x64xf32, #tpu.memory_space<hbm>>
      %dma_start3A_475 = tpu.memref_slice %arg11[%dma_start3A_466] : memref<4x!tpu.dma_semaphore, #tpu.memory_space<semaphore_mem>> -> memref<1x!tpu.dma_semaphore, #tpu.memory_space<semaphore_mem>>
      %dma_start3A_476 = tpu.memref_squeeze %dma_start3A_475 : memref<1x!tpu.dma_semaphore, #tpu.memory_space<semaphore_mem>> -> memref<!tpu.dma_semaphore, #tpu.memory_space<semaphore_mem>>
      %dma_start3A_477 = arith.constant 0 : i32
      %dma_start3A_478 = arith.constant 0 : i32
      %dma_start3A_479 = tpu.memref_slice %arg5[%add3A_464, %dma_start3A_477, %dma_start3A_478] : memref<1024x200x64xf32, #tpu.memory_space<hbm>> -> memref<1x200x64xf32, #tpu.memory_space<hbm>>
      %dma_start3A_480 = tpu.memref_squeeze %dma_start3A_479 : memref<1x200x64xf32, #tpu.memory_space<hbm>> -> memref<200x64xf32, #tpu.memory_space<hbm>>
      %dma_start3A_481 = arith.constant 0 : i32
      %dma_start3A_482 = arith.constant 0 : i32
      %dma_start3A_483 = tpu.memref_slice %arg9[%dma_start3A_465, %dma_start3A_481, %dma_start3A_482] : memref<4x200x64xf32, #tpu.memory_space<vmem>> -> memref<1x200x64xf32, #tpu.memory_space<vmem>>
      %dma_start3A_484 = tpu.memref_squeeze %dma_start3A_483 : memref<1x200x64xf32, #tpu.memory_space<vmem>> -> memref<200x64xf32, #tpu.memory_space<vmem>>
      tpu.enqueue_dma source(%dma_start3A_484 : memref<200x64xf32, #tpu.memory_space<vmem>>) target(%dma_start3A_480 : memref<200x64xf32, #tpu.memory_space<hbm>>) target_semaphore(%dma_start3A_476 : memref<!tpu.dma_semaphore, #tpu.memory_space<semaphore_mem>>)
      %scan3A_485 = arith.constant 0 : i32
      scf.yield %scan3A_485 : i32
    }
    %scan3A_127 = arith.constant 8 : i32
    %dma_wait3A = arith.constant 0 : i32
    %dma_wait3A_128 = arith.constant 0 : i32
    %dma_wait3A_129 = arith.constant 0 : i32
    %dma_wait3A_130 = arith.constant 0 : i32
    %dma_wait3A_131 = tpu.memref_slice %arg9[%dma_wait3A, %dma_wait3A_129, %dma_wait3A_130] : memref<4x200x64xf32, #tpu.memory_space<vmem>> -> memref<1x200x64xf32, #tpu.memory_space<vmem>>
    %dma_wait3A_132 = tpu.memref_squeeze %dma_wait3A_131 : memref<1x200x64xf32, #tpu.memory_space<vmem>> -> memref<200x64xf32, #tpu.memory_space<vmem>>
    %dma_wait3A_133 = arith.constant 0 : i32
    %dma_wait3A_134 = arith.constant 0 : i32
    %dma_wait3A_135 = tpu.memref_slice %arg5[%mul3A_2, %dma_wait3A_133, %dma_wait3A_134] : memref<1024x200x64xf32, #tpu.memory_space<hbm>> -> memref<1x200x64xf32, #tpu.memory_space<hbm>>
    %dma_wait3A_136 = tpu.memref_squeeze %dma_wait3A_135 : memref<1x200x64xf32, #tpu.memory_space<hbm>> -> memref<200x64xf32, #tpu.memory_space<hbm>>
    %dma_wait3A_137 = tpu.memref_slice %arg11[%dma_wait3A_128] : memref<4x!tpu.dma_semaphore, #tpu.memory_space<semaphore_mem>> -> memref<1x!tpu.dma_semaphore, #tpu.memory_space<semaphore_mem>>
    %dma_wait3A_138 = tpu.memref_squeeze %dma_wait3A_137 : memref<1x!tpu.dma_semaphore, #tpu.memory_space<semaphore_mem>> -> memref<!tpu.dma_semaphore, #tpu.memory_space<semaphore_mem>>
    %dma_wait3A_139 = arith.constant 0 : i32
    %dma_wait3A_140 = arith.constant 0 : i32
    %dma_wait3A_141 = tpu.memref_slice %arg5[%mul3A_2, %dma_wait3A_139, %dma_wait3A_140] : memref<1024x200x64xf32, #tpu.memory_space<hbm>> -> memref<1x200x64xf32, #tpu.memory_space<hbm>>
    %dma_wait3A_142 = tpu.memref_squeeze %dma_wait3A_141 : memref<1x200x64xf32, #tpu.memory_space<hbm>> -> memref<200x64xf32, #tpu.memory_space<hbm>>
    %dma_wait3A_143 = arith.constant 0 : i32
    %dma_wait3A_144 = arith.constant 0 : i32
    %dma_wait3A_145 = tpu.memref_slice %arg9[%dma_wait3A, %dma_wait3A_143, %dma_wait3A_144] : memref<4x200x64xf32, #tpu.memory_space<vmem>> -> memref<1x200x64xf32, #tpu.memory_space<vmem>>
    %dma_wait3A_146 = tpu.memref_squeeze %dma_wait3A_145 : memref<1x200x64xf32, #tpu.memory_space<vmem>> -> memref<200x64xf32, #tpu.memory_space<vmem>>
    tpu.wait_dma2 semaphore(%dma_wait3A_138 : memref<!tpu.dma_semaphore, #tpu.memory_space<semaphore_mem>>) src(%dma_wait3A_146 : memref<200x64xf32, #tpu.memory_space<vmem>>) dst(%dma_wait3A_142 : memref<200x64xf32, #tpu.memory_space<hbm>>)
    %dma_wait3A_147 = arith.constant 1 : i32
    %dma_wait3A_148 = arith.constant 1 : i32
    %dma_wait3A_149 = arith.constant 0 : i32
    %dma_wait3A_150 = arith.constant 0 : i32
    %dma_wait3A_151 = tpu.memref_slice %arg9[%dma_wait3A_147, %dma_wait3A_149, %dma_wait3A_150] : memref<4x200x64xf32, #tpu.memory_space<vmem>> -> memref<1x200x64xf32, #tpu.memory_space<vmem>>
    %dma_wait3A_152 = tpu.memref_squeeze %dma_wait3A_151 : memref<1x200x64xf32, #tpu.memory_space<vmem>> -> memref<200x64xf32, #tpu.memory_space<vmem>>
    %dma_wait3A_153 = arith.constant 0 : i32
    %dma_wait3A_154 = arith.constant 0 : i32
    %dma_wait3A_155 = tpu.memref_slice %arg5[%mul3A_2, %dma_wait3A_153, %dma_wait3A_154] : memref<1024x200x64xf32, #tpu.memory_space<hbm>> -> memref<1x200x64xf32, #tpu.memory_space<hbm>>
    %dma_wait3A_156 = tpu.memref_squeeze %dma_wait3A_155 : memref<1x200x64xf32, #tpu.memory_space<hbm>> -> memref<200x64xf32, #tpu.memory_space<hbm>>
    %dma_wait3A_157 = tpu.memref_slice %arg11[%dma_wait3A_148] : memref<4x!tpu.dma_semaphore, #tpu.memory_space<semaphore_mem>> -> memref<1x!tpu.dma_semaphore, #tpu.memory_space<semaphore_mem>>
    %dma_wait3A_158 = tpu.memref_squeeze %dma_wait3A_157 : memref<1x!tpu.dma_semaphore, #tpu.memory_space<semaphore_mem>> -> memref<!tpu.dma_semaphore, #tpu.memory_space<semaphore_mem>>
    %dma_wait3A_159 = arith.constant 0 : i32
    %dma_wait3A_160 = arith.constant 0 : i32
    %dma_wait3A_161 = tpu.memref_slice %arg5[%mul3A_2, %dma_wait3A_159, %dma_wait3A_160] : memref<1024x200x64xf32, #tpu.memory_space<hbm>> -> memref<1x200x64xf32, #tpu.memory_space<hbm>>
    %dma_wait3A_162 = tpu.memref_squeeze %dma_wait3A_161 : memref<1x200x64xf32, #tpu.memory_space<hbm>> -> memref<200x64xf32, #tpu.memory_space<hbm>>
    %dma_wait3A_163 = arith.constant 0 : i32
    %dma_wait3A_164 = arith.constant 0 : i32
    %dma_wait3A_165 = tpu.memref_slice %arg9[%dma_wait3A_147, %dma_wait3A_163, %dma_wait3A_164] : memref<4x200x64xf32, #tpu.memory_space<vmem>> -> memref<1x200x64xf32, #tpu.memory_space<vmem>>
    %dma_wait3A_166 = tpu.memref_squeeze %dma_wait3A_165 : memref<1x200x64xf32, #tpu.memory_space<vmem>> -> memref<200x64xf32, #tpu.memory_space<vmem>>
    tpu.wait_dma2 semaphore(%dma_wait3A_158 : memref<!tpu.dma_semaphore, #tpu.memory_space<semaphore_mem>>) src(%dma_wait3A_166 : memref<200x64xf32, #tpu.memory_space<vmem>>) dst(%dma_wait3A_162 : memref<200x64xf32, #tpu.memory_space<hbm>>)
    %dma_wait3A_167 = arith.constant 2 : i32
    %dma_wait3A_168 = arith.constant 2 : i32
    %dma_wait3A_169 = arith.constant 0 : i32
    %dma_wait3A_170 = arith.constant 0 : i32
    %dma_wait3A_171 = tpu.memref_slice %arg9[%dma_wait3A_167, %dma_wait3A_169, %dma_wait3A_170] : memref<4x200x64xf32, #tpu.memory_space<vmem>> -> memref<1x200x64xf32, #tpu.memory_space<vmem>>
    %dma_wait3A_172 = tpu.memref_squeeze %dma_wait3A_171 : memref<1x200x64xf32, #tpu.memory_space<vmem>> -> memref<200x64xf32, #tpu.memory_space<vmem>>
    %dma_wait3A_173 = arith.constant 0 : i32
    %dma_wait3A_174 = arith.constant 0 : i32
    %dma_wait3A_175 = tpu.memref_slice %arg5[%mul3A_2, %dma_wait3A_173, %dma_wait3A_174] : memref<1024x200x64xf32, #tpu.memory_space<hbm>> -> memref<1x200x64xf32, #tpu.memory_space<hbm>>
    %dma_wait3A_176 = tpu.memref_squeeze %dma_wait3A_175 : memref<1x200x64xf32, #tpu.memory_space<hbm>> -> memref<200x64xf32, #tpu.memory_space<hbm>>
    %dma_wait3A_177 = tpu.memref_slice %arg11[%dma_wait3A_168] : memref<4x!tpu.dma_semaphore, #tpu.memory_space<semaphore_mem>> -> memref<1x!tpu.dma_semaphore, #tpu.memory_space<semaphore_mem>>
    %dma_wait3A_178 = tpu.memref_squeeze %dma_wait3A_177 : memref<1x!tpu.dma_semaphore, #tpu.memory_space<semaphore_mem>> -> memref<!tpu.dma_semaphore, #tpu.memory_space<semaphore_mem>>
    %dma_wait3A_179 = arith.constant 0 : i32
    %dma_wait3A_180 = arith.constant 0 : i32
    %dma_wait3A_181 = tpu.memref_slice %arg5[%mul3A_2, %dma_wait3A_179, %dma_wait3A_180] : memref<1024x200x64xf32, #tpu.memory_space<hbm>> -> memref<1x200x64xf32, #tpu.memory_space<hbm>>
    %dma_wait3A_182 = tpu.memref_squeeze %dma_wait3A_181 : memref<1x200x64xf32, #tpu.memory_space<hbm>> -> memref<200x64xf32, #tpu.memory_space<hbm>>
    %dma_wait3A_183 = arith.constant 0 : i32
    %dma_wait3A_184 = arith.constant 0 : i32
    %dma_wait3A_185 = tpu.memref_slice %arg9[%dma_wait3A_167, %dma_wait3A_183, %dma_wait3A_184] : memref<4x200x64xf32, #tpu.memory_space<vmem>> -> memref<1x200x64xf32, #tpu.memory_space<vmem>>
    %dma_wait3A_186 = tpu.memref_squeeze %dma_wait3A_185 : memref<1x200x64xf32, #tpu.memory_space<vmem>> -> memref<200x64xf32, #tpu.memory_space<vmem>>
    tpu.wait_dma2 semaphore(%dma_wait3A_178 : memref<!tpu.dma_semaphore, #tpu.memory_space<semaphore_mem>>) src(%dma_wait3A_186 : memref<200x64xf32, #tpu.memory_space<vmem>>) dst(%dma_wait3A_182 : memref<200x64xf32, #tpu.memory_space<hbm>>)
    %dma_wait3A_187 = arith.constant 3 : i32
    %dma_wait3A_188 = arith.constant 3 : i32
    %dma_wait3A_189 = arith.constant 0 : i32
    %dma_wait3A_190 = arith.constant 0 : i32
    %dma_wait3A_191 = tpu.memref_slice %arg9[%dma_wait3A_187, %dma_wait3A_189, %dma_wait3A_190] : memref<4x200x64xf32, #tpu.memory_space<vmem>> -> memref<1x200x64xf32, #tpu.memory_space<vmem>>
    %dma_wait3A_192 = tpu.memref_squeeze %dma_wait3A_191 : memref<1x200x64xf32, #tpu.memory_space<vmem>> -> memref<200x64xf32, #tpu.memory_space<vmem>>
    %dma_wait3A_193 = arith.constant 0 : i32
    %dma_wait3A_194 = arith.constant 0 : i32
    %dma_wait3A_195 = tpu.memref_slice %arg5[%mul3A_2, %dma_wait3A_193, %dma_wait3A_194] : memref<1024x200x64xf32, #tpu.memory_space<hbm>> -> memref<1x200x64xf32, #tpu.memory_space<hbm>>
    %dma_wait3A_196 = tpu.memref_squeeze %dma_wait3A_195 : memref<1x200x64xf32, #tpu.memory_space<hbm>> -> memref<200x64xf32, #tpu.memory_space<hbm>>
    %dma_wait3A_197 = tpu.memref_slice %arg11[%dma_wait3A_188] : memref<4x!tpu.dma_semaphore, #tpu.memory_space<semaphore_mem>> -> memref<1x!tpu.dma_semaphore, #tpu.memory_space<semaphore_mem>>
    %dma_wait3A_198 = tpu.memref_squeeze %dma_wait3A_197 : memref<1x!tpu.dma_semaphore, #tpu.memory_space<semaphore_mem>> -> memref<!tpu.dma_semaphore, #tpu.memory_space<semaphore_mem>>
    %dma_wait3A_199 = arith.constant 0 : i32
    %dma_wait3A_200 = arith.constant 0 : i32
    %dma_wait3A_201 = tpu.memref_slice %arg5[%mul3A_2, %dma_wait3A_199, %dma_wait3A_200] : memref<1024x200x64xf32, #tpu.memory_space<hbm>> -> memref<1x200x64xf32, #tpu.memory_space<hbm>>
    %dma_wait3A_202 = tpu.memref_squeeze %dma_wait3A_201 : memref<1x200x64xf32, #tpu.memory_space<hbm>> -> memref<200x64xf32, #tpu.memory_space<hbm>>
    %dma_wait3A_203 = arith.constant 0 : i32
    %dma_wait3A_204 = arith.constant 0 : i32
    %dma_wait3A_205 = tpu.memref_slice %arg9[%dma_wait3A_187, %dma_wait3A_203, %dma_wait3A_204] : memref<4x200x64xf32, #tpu.memory_space<vmem>> -> memref<1x200x64xf32, #tpu.memory_space<vmem>>
    %dma_wait3A_206 = tpu.memref_squeeze %dma_wait3A_205 : memref<1x200x64xf32, #tpu.memory_space<vmem>> -> memref<200x64xf32, #tpu.memory_space<vmem>>
    tpu.wait_dma2 semaphore(%dma_wait3A_198 : memref<!tpu.dma_semaphore, #tpu.memory_space<semaphore_mem>>) src(%dma_wait3A_206 : memref<200x64xf32, #tpu.memory_space<vmem>>) dst(%dma_wait3A_202 : memref<200x64xf32, #tpu.memory_space<hbm>>)
    return
  }
}

</mosaic_0001>

<sc_bundles>
// kernel: kernel.3.cloned.1.call-start
scs
__scs_entry_jumppad:
0x0: {  	(pc) =	sbr.rel $0x88, $3  }
0x1: {  	(tag) =	ssettag $0x0;
	lr =	simm.s32 $0x1  }
0x2: {  	[smem:$0x3F9E] =	sst lr;
	_ =	strace $0xD0000000  }
0x3: {  	_ = 	snop  }
0x4: {  	_ = 	snop  }
0x5: {  	_ = 	snop  }
0x6: {  	_ = 	snop  }
0x7: {  	_ = 	snop  }
__scs_overlays_trampoline_lowered:
0x8: {  	[smem:$0x3FAD] =	sst s0  }
0x9: {  	[smem:$0x3FAE] =	sst s1  }
0xa: {  	[smem:$0x3FAF] =	sst s2  }
0xb: {  	[smem:$0x3FB0] =	sst s3  }
0xc: {  	[smem:$0x3FB1] =	sst s4  }
0xd: {  	[smem:$0x3FB2] =	sst s5  }
0xe: {  	[smem:$0x3FB3] =	sst s6  }
0xf: {  	[smem:$0x3FB4] =	sst s7  }
0x10: {  	[smem:$0x3FB5] =	sst s8  }
0x11: {  	[smem:$0x3FB6] =	sst s9;
	s0 =	simm.s32 @!p0 $0x0  }
0x12: {  	s1 =	sld [smem:$0x3F9C];
	s0 =	simm.s32 @p0 $0x1  }
0x13: {  	[smem:$0x3FB7] =	sst s0;
	s0 =	simm.s32 @!p1 $0x0  }
0x14: {  	s2 =	sld [smem:$0x3F9B];
	s0 =	simm.s32 @p1 $0x1  }
0x15: {  	[smem:$0x3FB8] =	sst s0;
	s0 =	simm.s32 @!p2 $0x0  }
0x16: {  	s3 =	sld [smem:$0x3FDB];
	s0 =	simm.s32 @p2 $0x1  }
0x17: {  	s4 =	simm.s32 $0x1BF5;
	[smem:$0x3FBA] =	sst s0  }
0x18: {  	s0 =	sld [smem:$0x3F9D];
	_ =	swait.ge [sflag:s4], $0x0  }
0x19: {  	s7 =	sld [smem:$0x3F9E]  }
0x1a: {  	s8 =	sadd.s32 $0xFFFFE003, lr  }
0x1b: {  	s9 =	sadd.s32 $0xFFFFFEF7, lr;
	s5 =	simm.s32 $0xFFFFFFFF;
	p2 =	slt.u32 s8, $0xFFFFF086  }
0x1c: {  	p1 =	slt.u32 s9, $0xF7A;
	s5 =	simm.s32 @!p2 $0x0  }
0x1d: {  	s5 =	simm.s32 @p1 $0x1;
	p0 =	seq.s32 s7, s2  }
0x1e: {  	s7 =	smul.u32 @!p0 $0xF7A, s2;
	p2 =	seq.s32 @!p0 s5, $0x0  }
0x1f: {  	s9 =	smul.u32 $0xF7A, s1;
	s8 =	simm.s32 @!p0 $0x1BF5;
	p2 =	por !p2, p0  }
0x20: {  	[sflag:s8] =	ssyncset.s32 @!p0 $0xFFFFF086;
	s6 =	sadd.s32 @!p0 s3, s7;
	s7 =	simm.s32 @!p0 $0x108  }
0x21: {  	s3 =	sadd.s32 s3, s9;
	s6 =	sadd.s32 @!p0 $0x88, s6;
	s7 =	simm.s32 @p2 $0x1082  }
0x22: {  	[simem:s7], [sflag:s8] =	dma.local @!p0 [hbm:s6], $0xF7A  }
0x23: {  	s9 =	sor.u32 $0xD0000000, s2;
	s6 =	simm.s32 $0x108;
	_ =	swait.ge @!p0 [sflag:s8], $0x0  }
0x24: {  	s3 =	sadd.s32 $0x88, s3;
	s6 =	simm.s32 @!p1 $0x1082;
	[sflag:s4] =	ssyncset.s32 $0xFFFFF086  }
0x25: {  	[simem:s6], [sflag:s4] =	dma.local [hbm:s3], $0xF7A  }
0x26: {  	[smem:$0x3F9E] =	sst s1;
	(tag) =	ssettag s2;
	_ =	strace s9  }
0x27: {  	s1 =	sld [smem:$0x3FAE]  }
0x28: {  	s2 =	sld [smem:$0x3FAF]  }
0x29: {  	s4 =	sld [smem:$0x3FB1]  }
0x2a: {  	p0 =	seq.s32 s5, $0x0;
	s5 =	sld [smem:$0x3FB2]  }
0x2b: {  	s6 =	sld [smem:$0x3FB3]  }
0x2c: {  	s7 =	sld [smem:$0x3FB4]  }
0x2d: {  	s3 =	simm.s32 $0x108;
	s8 =	sld [smem:$0x3FB5]  }
0x2e: {  	s3 =	simm.s32 @!p0 $0x1082;
	s9 =	sld [smem:$0x3FB6]  }
0x2f: {  	lr =	sadd.s32 s0, s3;
	s0 =	sld [smem:$0x3FAD]  }
0x30: {  	s3 =	sld [smem:$0x3FB0]  }
0x31: {  	[smem:$0x3FB9] =	sst s10  }
0x32: {  	s10 =	sld [smem:$0x3FB7];
	_ =	sdelay $0x3  }
0x33: {  	p0 =	seq.s32 s10, $0x1;
	s10 =	sld [smem:$0x3FB9];
	_ =	sdelay $0x3  }
0x34: {  	[smem:$0x3FB9] =	sst s10  }
0x35: {  	s10 =	sld [smem:$0x3FB8];
	_ =	sdelay $0x3  }
0x36: {  	p1 =	seq.s32 s10, $0x1;
	s10 =	sld [smem:$0x3FB9];
	_ =	sdelay $0x3  }
0x37: {  	[smem:$0x3FB9] =	sst s10  }
0x38: {  	s10 =	sld [smem:$0x3FBA]  }
0x39: {  	_ = 	snop;
	(pc) =	sbr.ind lr, $3  }
0x3a: {  	_ = 	snop  }
0x3b: {  	_ = 	snop  }
0x3c: {  	p2 =	seq.s32 s10, $0x1;
	s10 =	sld [smem:$0x3FB9]  }
0x3d: {  	_ =	shalt  }
0x3e: {  	_ =	shalt  }
0x3f: {  	_ =	shalt  }
0x40: {  	_ =	shalt  }
0x41: {  	_ =	shalt  }
0x42: {  	_ =	shalt  }
0x43: {  	_ =	shalt  }
0x44: {  	_ =	shalt  }
0x45: {  	_ =	shalt  }
0x46: {  	_ =	shalt  }
0x47: {  	_ =	shalt  }
0x48: {  	_ =	shalt  }
0x49: {  	_ =	shalt  }
0x4a: {  	_ =	shalt  }
0x4b: {  	_ =	shalt  }
0x4c: {  	_ =	shalt  }
0x4d: {  	_ =	shalt  }
0x4e: {  	_ =	shalt  }
0x4f: {  	_ =	shalt  }
0x50: {  	_ =	shalt  }
0x51: {  	_ =	shalt  }
0x52: {  	_ =	shalt  }
0x53: {  	_ =	shalt  }
0x54: {  	_ =	shalt  }
0x55: {  	_ =	shalt  }
0x56: {  	_ =	shalt  }
0x57: {  	_ =	shalt  }
0x58: {  	_ =	shalt  }
0x59: {  	_ =	shalt  }
0x5a: {  	_ =	shalt  }
0x5b: {  	_ =	shalt  }
0x5c: {  	_ =	shalt  }
0x5d: {  	_ =	shalt  }
0x5e: {  	_ =	shalt  }
0x5f: {  	_ =	shalt  }
0x60: {  	_ =	shalt  }
0x61: {  	_ =	shalt  }
0x62: {  	_ =	shalt  }
0x63: {  	_ =	shalt  }
0x64: {  	_ =	shalt  }
0x65: {  	_ =	shalt  }
0x66: {  	_ =	shalt  }
0x67: {  	_ =	shalt  }
0x68: {  	_ =	shalt  }
0x69: {  	_ =	shalt  }
0x6a: {  	_ =	shalt  }
0x6b: {  	_ =	shalt  }
0x6c: {  	_ =	shalt  }
0x6d: {  	_ =	shalt  }
0x6e: {  	_ =	shalt  }
0x6f: {  	_ =	shalt  }
0x70: {  	_ =	shalt  }
0x71: {  	_ =	shalt  }
0x72: {  	_ =	shalt  }
0x73: {  	_ =	shalt  }
0x74: {  	_ =	shalt  }
0x75: {  	_ =	shalt  }
0x76: {  	_ =	shalt  }
0x77: {  	_ =	shalt  }
0x78: {  	_ =	shalt  }
0x79: {  	_ =	shalt  }
0x7a: {  	_ =	shalt  }
0x7b: {  	_ =	shalt  }
0x7c: {  	_ =	shalt  }
0x7d: {  	_ =	shalt  }
0x7e: {  	_ =	shalt  }
0x7f: {  	_ =	shalt  }
0x80: {  	_ =	shalt  }
0x81: {  	_ =	shalt  }
0x82: {  	_ =	shalt  }
0x83: {  	_ =	shalt  }
0x84: {  	_ =	shalt  }
0x85: {  	_ =	shalt  }
0x86: {  	_ =	shalt  }
0x87: {  	_ =	shalt  }
.Lfunc_end0:
.L_simem_size_0:
called_computation.1_lowered:
.L_overlay_start_0:
0x88: {  	s2 =	sld [smem:$0x3FD9]  }
0x89: {  	s3 =	sld [smem:$0x3FFE];
	_ =	sdelay $0x1  }
0x8a: {  	s1 =	srdreg.scid  }
0x8b: {  	s0 =	sand.u32 $0x1, s1  }
0x8c: {  	s17 =	sshll.u32 s0, $0xA;
	s2 =	sadd.s32 s3, s2  }
0x8d: {  	s2 =	sadd.s32 s2, s17  }
0x8e: {  	[smem:$0x3FC5] =	sst s2  }
0x8f: {  	_ = 	snop  }
0x90: {  	s2 =	sld [smem:$0x3FD0];
	(tm) =	ssettm $0x1  }
0x91: {  	s18 =	sld [smem:$0x3FFB];
	_ =	sdelay $0x3  }
0x92: {  	_ =	strace s18  }
0x93: {  	s3 =	sld [smem:$0x3FFC];
	_ =	sdelay $0x3  }
0x94: {  	_ =	strace s3  }
0x95: {  	s3 =	sld [smem:$0x3FFD];
	_ =	sdelay $0x3  }
0x96: {  	_ =	strace s3  }
0x97: {  	_ =	strace $0x8FFFFFFF  }
0x98: {  	s19 =	sld [smem:$0x3FDB];
	_ =	sdelay $0x1  }
0x99: {  	s4 =	simm.s32 $_scs_section_size  }
0x9a: {  	s5 =	simm.s32 $_size__tile_overlayer_lowered;
	s6 =	simm.s32 $_tile_overlayer_lowered  }
0x9b: {  	s22 =	simm.s32 $0x1BFF;
	s21 =	sshll.u32 s6, $0x1;
	s3 =	sadd.s32 s4, s19  }
0x9c: {  	s7 =	simm.s32 $0x0;
	s20 =	sshll.u32 s5, $0x1;
	s5 =	sadd.s32 s21, s3  }
0x9d: {  	[timem:s7], [sflag:s22] =	dma.local [hbm:s5], s20  }
0x9e: {  	_ =	swait.ge [sflag:s22], s20  }
0x9f: {  	s4 =	ssub.s32 $0x0, s20;
	[sflag:s22] =	ssyncset.done $0x0  }
0xa0: {  	[sflag:s22] =	ssyncadd.s32 s4;
	_ =	sdelay $0x1  }
0xa1: {  	s23 =	simm.s32 $0x1B8B  }
0xa2: {  	_ =	swait.ge [sflag:s23], $0x1  }
0xa3: {  	[sflag:s23] =	ssyncset.done $0x0  }
0xa4: {  	s25 =	simm.s32 $0x1B8E;
	s24 =	sld [smem:$0x3FFE];
	[sflag:s23] =	ssyncadd.s32 $0xFFFFFFFF  }
0xa5: {  	s26 =	simm.s32 $execute0_lowered;
	[smem:$0x3FD2] =	sst s25  }
0xa6: {  	s5 =	sshll.u32 s26, $0x1;
	_ =	strace $0x80000046;
	[dreg:$0x1] =	wrdreg $0xFFFFFFFF  }
0xa7: {  	s28 =	simm.s32 $_size_execute0_lowered;
	s3 =	sadd.s32 s3, s5;
	[dreg:$0x0] =	wrdreg $0x0  }
0xa8: {  	s5 =	sshll.u32 s28, $0x1;
	[dreg:$0x2] =	wrdreg s3  }
0xa9: {  	[dreg:$0x3] =	wrdreg s5  }
0xaa: {  	[dreg:$0x4] =	wrdreg $0xC0  }
0xab: {  	_ =	task [dreg:s7], $0x5FFFF  }
0xac: {  	[dreg:$0x1] =	wrdreg $0xFFFFFFFF  }
0xad: {  	[dreg:$0x0] =	wrdreg $0x60  }
0xae: {  	[dreg:$0x2] =	wrdreg s24  }
0xaf: {  	[dreg:$0x3] =	wrdreg s2  }
0xb0: {  	[dreg:$0x4] =	wrdreg $0x9  }
0xb1: {  	_ =	task.clear_ibuf [dreg:s7], $0x5FFFF;
	_ =	strace $0x90000046  }
0xb2: {  	s29 =	simm.s32 $0x9;
	_ =	strace $0x80000048  }
0xb3: {  	_ =	swait.ge [sflag:s29], $0x1  }
0xb4: {  	[sflag:s29] =	ssyncadd.s32 $0xFFFFFFFF  }
0xb5: {  	_ =	strace $0x90000048  }
0xb6: {  	_ =	sfence  }
0xb7: {  	s30 =	sld [smem:$0x0];
	_ =	sdelay $0x2  }
0xb8: {  	s31 =	sshll.u32 s1, $0xD;
	s1 =	sshrl.u32 s1, $0x2  }
0xb9: {  	s3 =	sand.u32 $0x4000, s31;
	s1 =	sadd.s32 s1, s30  }
0xba: {  	s0 =	sor.u32 s3, s0;
	s1 =	sshll.u32 s1, $0x11  }
0xbb: {  	s0 =	sor.u32 s1, s0  }
0xbc: {  	s0 =	sadd.s32 $0x8F2B, s0  }
0xbd: {  	[sflag:s0] =	ssyncadd.remote.s32 $0x1  }
0xbe: {  	_ =	sfence.sel $0xFFFF  }
0xbf: {  	[dreg:$0x0] =	wrdreg $0xFFFFFFFF;
	(pc) =	sbr.abs _section_cstart, $3  }
0xc0: {  	[dreg:$0x1] =	wrdreg $0xFFFFFFFF  }
0xc1: {  	_ =	task.clear_ibuf [dreg:s7], $0x2FFFF;
	_ =	strace $0x9FFFFFFF  }
0xc2: {  	(tm) =	ssettm $0x7FFFFFFF  }
0xc3: {  	_ =	shalt  }
tec
execute0_lowered:
.L_overlay_start_1:
0x0: {  	(tag) =	ssettag $0x1  }
0x1: {  	s0 =	srdreg.scid;
	s1 =	rddreg [dreg:$0x0]  }
0x2: {  	s3 =	stileid.u32;
	s2 =	rddreg [dreg:$0x1]  }
0x3: {  	s9 =	simm.s32 $0x9;
	s10 =	simm.s32 $0x3200;
	s11 =	simm.s32 $0x80  }
0x4: {  	s13 =	simm.s32 $0x48;
	s29 =	simm.s32 $0x1;
	s30 =	simm.s32 $0x11300  }
0x5: {  	s31 =	simm.s32 $0x2;
	s12 =	simm.s32 $0x17700;
	s14 =	simm.s32 $0x4  }
0x6: {  	s15 =	simm.s32 $0x1A900;
	s16 =	simm.s32 $0x5;
	s17 =	simm.s32 $0x6  }
0x7: {  	s18 =	simm.s32 $0x7;
	s19 =	simm.s32 $0x8;
	s0 =	sand.u32 $0x1, s0  }
0x8: {  	s20 =	simm.s32 $0x0;
	s4 =	sshll.u32 s3, $0x6;
	s5 =	sshll.u32 s0, $0x5  }
0x9: {  	s3 =	simm.s32 $0x0;
	s0 =	ssub.s32 $0x2, s0;
	s4 =	sor.u32 s5, s4  }
0xa: {  	[smem:$0x7FF] =	sst s3;
	s8 =	sshrl.u32 s0, $0x1;
	s5 =	smul.u32 $0x19, s4  }
0xb: {  	s6 =	sadd.s32 $0x7200, s1;
	_ =	strace $0x80000047;
	s0 =	ssub.s32 s0, s8  }
0xc: {  	s8 =	smax.u32 s0, $0x1;
	s0 =	simm.s32 $0x3;
	s7 =	sadd.s32 s5, s1  }
0xd: {  	s5 =	sadd.s32 $0xF43200, s1;
	s1 =	simm.s32 $0x14500;
	s7 =	sadd.s32 $0xE00, s7  }
.LBB2_1:
0xe: {  	[tilespmem:s3], [sflag:$0x9] =	stream.linear.gather [hbm4b:s6+s3], $0x3200, $0x38;
	[tilespmem:$0x1DB00] =	vst v63  }
0xf: {  	_ =	swait.ge [sflag:s9], $0x3200  }
0x10: {  	[sflag:s9] =	ssyncset.done $0x0  }
0x11: {  	[sflag:s9] =	ssyncadd.s32 $0xFFFFCE00  }
0x12: {  	[tilespmem:s10], [sflag:$0x9] =	stream.linear.gather [hbm4b:s7+s3], $0x1900, $0x38;
	[tilespmem:$0x1DB00] =	vst v63  }
0x13: {  	_ =	swait.ge [sflag:s9], $0x1900  }
0x14: {  	[sflag:s9] =	ssyncset.done $0x0  }
0x15: {  	s21 =	simm.s32 $0x4B00;
	[sflag:s9] =	ssyncadd.s32 $0xFFFFE700  }
0x16: {  	[tilespmem:s21], [sflag:$0x1] =	stream.indirect.gather [hbm4b:s5+s11], $0x40, s10, s11, $0xb8;
	[tilespmem:$0x1DB00] =	vst v63  }
0x17: {  	s28 =	simm.s32 $0x3280;
	s22 =	simm.s32 $0x6B00  }
0x18: {  	[tilespmem:s22], [sflag:$0x1] =	stream.indirect.gather [hbm4b:s5+s13], $0x40, s28, s13, $0xb8;
	[tilespmem:$0x1DB00] =	vst v63  }
0x19: {  	s23 =	simm.s32 $0x7D00;
	s22 =	simm.s32 $0x32C8  }
0x1a: {  	[tilespmem:s23], [sflag:$0x2] =	stream.indirect.gather [hbm4b:s5+s11], $0x40, s22, s11, $0xb8;
	[tilespmem:$0x1DB00] =	vst v63  }
0x1b: {  	s24 =	simm.s32 $0x3348;
	s25 =	simm.s32 $0x9D00  }
0x1c: {  	[tilespmem:s25], [sflag:$0x2] =	stream.indirect.gather [hbm4b:s5+s13], $0x40, s24, s13, $0xb8;
	[tilespmem:$0x1DB00] =	vst v63  }
0x1d: {  	s26 =	simm.s32 $0x3390;
	s28 =	simm.s32 $0xAF00  }
0x1e: {  	[tilespmem:s28], [sflag:$0x3] =	stream.indirect.gather [hbm4b:s5+s11], $0x40, s26, s11, $0xb8;
	[tilespmem:$0x1DB00] =	vst v63  }
0x1f: {  	s22 =	simm.s32 $0x3410;
	s23 =	simm.s32 $0xCF00  }
0x20: {  	[tilespmem:s23], [sflag:$0x3] =	stream.indirect.gather [hbm4b:s5+s13], $0x40, s22, s13, $0xb8;
	[tilespmem:$0x1DB00] =	vst v63  }
0x21: {  	s24 =	simm.s32 $0x3458;
	s25 =	simm.s32 $0xE100  }
0x22: {  	[tilespmem:s25], [sflag:$0x4] =	stream.indirect.gather [hbm4b:s5+s11], $0x40, s24, s11, $0xb8;
	[tilespmem:$0x1DB00] =	vst v63  }
0x23: {  	s21 =	simm.s32 $0x0;
	s26 =	simm.s32 $0x34D8;
	s28 =	simm.s32 $0x10100  }
0x24: {  	[tilespmem:s28], [sflag:$0x4] =	stream.indirect.gather [hbm4b:s5+s13], $0x40, s26, s13, $0xb8;
	[tilespmem:$0x1DB00] =	vst v63  }
.LBB2_2:
0x25: {  	_ =	swait.ge [sflag:s29], $0x2000  }
0x26: {  	[sflag:s29] =	ssyncset.done $0x0  }
0x27: {  	[sflag:s29] =	ssyncadd.s32 $0xFFFFE000  }
0x28: {  	_ =	swait.ge [sflag:s29], $0x1200  }
0x29: {  	p1 =	seq.s32 s21, $0x0;
	[sflag:s29] =	ssyncset.done $0x0  }
0x2a: {  	s22 =	simm.s32 @!p1 $0x5;
	[sflag:s29] =	ssyncadd.s32 $0xFFFFEE00  }
0x2b: {  	_ =	swait.ge @!p1 [sflag:s22], $0x3200  }
0x2c: {  	[sflag:s22] =	ssyncset.done @!p1 $0x0  }
0x2d: {  	[sflag:s22] =	ssyncadd.s32 @!p1 $0xFFFFCE00;
	s22 =	simm.s32 $0x0  }
0x2e: {  	v3 =	vld [tilespmem:s22+$0x4B30]  }
0x2f: {  	v4 =	vld [tilespmem:s22+$0x4B00]  }
0x30: {  	v6 =	vld [tilespmem:s22+$0x30]  }
0x31: {  	v1 =	vld [tilespmem:s22+$0x4B10]  }
0x32: {  	v0 =	vld [tilespmem:s22+$0x4B20]  }
0x33: {  	v2 =	vld [tilespmem:s22+$0x0];
	v7 =	vmul.f32 $8.000000000e+00, v3  }
0x34: {  	v3 =	vld [tilespmem:s22+$0x10]  }
0x35: {  	s23 =	sshll.u32 s21, $0x2;
	s24 =	simm.s32 $0x40;
	s25 =	simm.s32 $0x200;
	v5 =	vmul.f32 $8.000000000e+00, v4;
	v4 =	vld [tilespmem:s22+$0x20];
	v6 =	vadd.f32 v6, v7  }
.LBB2_3:
0x36: {  	p0 =	sne.s32 s25, $0xC700;
	v7 =	vld [tilespmem:s24+$0x4B30];
	v8 =	vmul.f32 $8.000000000e+00, v1  }
0x37: {  	v9 =	vld [tilespmem:s24+$0x4B00];
	v10 =	vmul.f32 $8.000000000e+00, v0;
	[tilespmem:s22+$0x11330] =	vst v6  }
0x38: {  	v6 =	vld [tilespmem:s24+$0x30];
	v2 =	vadd.f32 v2, v5  }
.Ltmp0:
0x39: {  	v1 =	vld [tilespmem:s24+$0x4B10];
	v3 =	vadd.f32 v3, v8;
	(pc) =	sbr.rel @p0 .LBB2_3-.Ltmp0, $4  }
0x3a: {  	v0 =	vld [tilespmem:s24+$0x4B20];
	[tilespmem:s22+$0x11300] =	vst v2;
	v4 =	vadd.f32 v4, v10  }
0x3b: {  	v2 =	vld [tilespmem:s24+$0x0];
	v7 =	vmul.f32 $8.000000000e+00, v7;
	[tilespmem:s22+$0x11310] =	vst v3  }
0x3c: {  	v5 =	vmul.f32 $8.000000000e+00, v9;
	v3 =	vld [tilespmem:s24+$0x10];
	[tilespmem:s22+$0x11320] =	vst v4;
	s22 =	smov.u32 s24  }
0x3d: {  	s24 =	sshra.s32 s25, $0x2;
	s25 =	sadd.s32 $0x100, s25;
	v4 =	vld [tilespmem:s22+$0x20];
	v6 =	vadd.f32 v6, v7  }
0x3e: {  	v7 =	vld [tilespmem:s24+$0x4B30]  }
0x3f: {  	v8 =	vld [tilespmem:s24+$0x4B00];
	v1 =	vmul.f32 $8.000000000e+00, v1;
	[tilespmem:s22+$0x11330] =	vst v6  }
0x40: {  	v0 =	vmul.f32 $8.000000000e+00, v0;
	v6 =	vld [tilespmem:s24+$0x30];
	v2 =	vadd.f32 v2, v5  }
0x41: {  	v5 =	vld [tilespmem:s24+$0x4B10];
	v1 =	vadd.f32 v3, v1  }
0x42: {  	v9 =	vld [tilespmem:s24+$0x4B20];
	[tilespmem:s22+$0x11300] =	vst v2;
	v0 =	vadd.f32 v4, v0  }
0x43: {  	v2 =	vld [tilespmem:s24+$0x0];
	[tilespmem:s22+$0x11310] =	vst v1  }
0x44: {  	v1 =	vld [tilespmem:s24+$0x10];
	[tilespmem:s22+$0x11320] =	vst v0  }
0x45: {  	v0 =	vmul.f32 $8.000000000e+00, v7;
	v3 =	vld [tilespmem:s24+$0x20]  }
0x46: {  	v4 =	vmul.f32 $8.000000000e+00, v8  }
0x47: {  	v5 =	vmul.f32 $8.000000000e+00, v5;
	v0 =	vadd.f32 v6, v0  }
0x48: {  	p0 =	seq.s32 s21, $0x7;
	v6 =	vmul.f32 $8.000000000e+00, v9;
	v2 =	vadd.f32 v2, v4  }
0x49: {  	s22 =	smul.u32 @!p0 $0xC80, s21;
	[tilespmem:s24+$0x11330] =	vst v0;
	v0 =	vadd.f32 v1, v5  }
0x4a: {  	[tilespmem:s24+$0x11300] =	vst v2;
	v1 =	vadd.f32 v3, v6  }
0x4b: {  	s22 =	sshra.s32 @!p0 s22, $0x2;
	[tilespmem:s24+$0x11310] =	vst v0  }
0x4c: {  	s25 =	simm.s32 @!p0 $0x80;
	s26 =	simm.s32 @!p0 $0x4B00;
	[tilespmem:s24+$0x11320] =	vst v1;
	s24 =	sadd.s32 @!p0 $0x3520, s22  }
0x4d: {  	[tilespmem:s26], [sflag:$0x1] =	stream.indirect.gather @!p0 [hbm4b:s5+s25], $0x40, s24, s25, $0xb8;
	[tilespmem:$0x1DB00] =	vst v63  }
0x4e: {  	s28 =	simm.s32 @!p0 $0x6B00;
	s25 =	sadd.s32 s4, s23  }
0x4f: {  	s24 =	sadd.s32 @!p0 $0x35A0, s22;
	s26 =	simm.s32 @!p0 $0x48;
	s25 =	smul.u32 $0x640, s25  }
0x50: {  	[tilespmem:s28], [sflag:$0x1] =	stream.indirect.gather @!p0 [hbm4b:s5+s26], $0x40, s24, s26, $0xb8;
	[tilespmem:$0x1DB00] =	vst v63  }
0x51: {  	s26 =	sadd.s32 s2, s25  }
0x52: {  	[hbm4b:s26+s3] =	stream.linear.scatter [tilespmem:s30], [sflag:$0x5], $0x3200, $0x38;
	[tilespmem:$0x1DB00] =	vst v63  }
0x53: {  	_ =	swait.ge [sflag:s31], $0x2000  }
0x54: {  	[sflag:s31] =	ssyncset.done $0x0  }
0x55: {  	[sflag:s31] =	ssyncadd.s32 $0xFFFFE000  }
0x56: {  	_ =	swait.ge [sflag:s31], $0x1200  }
0x57: {  	[sflag:s31] =	ssyncset.done $0x0  }
0x58: {  	s24 =	simm.s32 @!p1 $0x6;
	[sflag:s31] =	ssyncadd.s32 $0xFFFFEE00  }
0x59: {  	_ =	swait.ge @!p1 [sflag:s24], $0x3200  }
0x5a: {  	[sflag:s24] =	ssyncset.done @!p1 $0x0  }
0x5b: {  	s26 =	simm.s32 $0x0;
	[sflag:s24] =	ssyncadd.s32 @!p1 $0xFFFFCE00  }
0x5c: {  	v3 =	vld [tilespmem:s26+$0x7D30]  }
0x5d: {  	v4 =	vld [tilespmem:s26+$0x7D00]  }
0x5e: {  	v6 =	vld [tilespmem:s26+$0x30]  }
0x5f: {  	v1 =	vld [tilespmem:s26+$0x7D10]  }
0x60: {  	v0 =	vld [tilespmem:s26+$0x7D20]  }
0x61: {  	v2 =	vld [tilespmem:s26+$0x0];
	v7 =	vmul.f32 $8.000000000e+00, v3  }
0x62: {  	v3 =	vld [tilespmem:s26+$0x10]  }
0x63: {  	s28 =	simm.s32 $0x200;
	s25 =	simm.s32 $0x40;
	s24 =	sor.u32 $0x1, s23;
	v5 =	vmul.f32 $8.000000000e+00, v4;
	v4 =	vld [tilespmem:s26+$0x20];
	v6 =	vadd.f32 v6, v7  }
.LBB2_5:
0x64: {  	p2 =	sne.s32 s28, $0xC700;
	v7 =	vld [tilespmem:s25+$0x7D30];
	v8 =	vmul.f32 $8.000000000e+00, v1  }
0x65: {  	v9 =	vld [tilespmem:s25+$0x7D00];
	v10 =	vmul.f32 $8.000000000e+00, v0;
	[tilespmem:s26+$0x14530] =	vst v6  }
0x66: {  	v6 =	vld [tilespmem:s25+$0x30];
	v2 =	vadd.f32 v2, v5  }
.Ltmp1:
0x67: {  	v1 =	vld [tilespmem:s25+$0x7D10];
	v3 =	vadd.f32 v3, v8;
	(pc) =	sbr.rel @p2 .LBB2_5-.Ltmp1, $4  }
0x68: {  	v0 =	vld [tilespmem:s25+$0x7D20];
	[tilespmem:s26+$0x14500] =	vst v2;
	v4 =	vadd.f32 v4, v10  }
0x69: {  	v2 =	vld [tilespmem:s25+$0x0];
	v7 =	vmul.f32 $8.000000000e+00, v7;
	[tilespmem:s26+$0x14510] =	vst v3  }
0x6a: {  	v5 =	vmul.f32 $8.000000000e+00, v9;
	v3 =	vld [tilespmem:s25+$0x10];
	[tilespmem:s26+$0x14520] =	vst v4;
	s26 =	smov.u32 s25  }
0x6b: {  	s25 =	sshra.s32 s28, $0x2;
	s28 =	sadd.s32 $0x100, s28;
	v4 =	vld [tilespmem:s26+$0x20];
	v6 =	vadd.f32 v6, v7  }
0x6c: {  	v7 =	vld [tilespmem:s25+$0x7D30]  }
0x6d: {  	v8 =	vld [tilespmem:s25+$0x7D00];
	v1 =	vmul.f32 $8.000000000e+00, v1;
	[tilespmem:s26+$0x14530] =	vst v6  }
0x6e: {  	v0 =	vmul.f32 $8.000000000e+00, v0;
	v6 =	vld [tilespmem:s25+$0x30];
	v2 =	vadd.f32 v2, v5  }
0x6f: {  	v5 =	vld [tilespmem:s25+$0x7D10];
	v1 =	vadd.f32 v3, v1  }
0x70: {  	v9 =	vld [tilespmem:s25+$0x7D20];
	[tilespmem:s26+$0x14500] =	vst v2;
	v0 =	vadd.f32 v4, v0  }
0x71: {  	v2 =	vld [tilespmem:s25+$0x0];
	[tilespmem:s26+$0x14510] =	vst v1  }
0x72: {  	v1 =	vld [tilespmem:s25+$0x10];
	[tilespmem:s26+$0x14520] =	vst v0  }
0x73: {  	v0 =	vmul.f32 $8.000000000e+00, v7;
	v3 =	vld [tilespmem:s25+$0x20]  }
0x74: {  	v4 =	vmul.f32 $8.000000000e+00, v8  }
0x75: {  	v5 =	vmul.f32 $8.000000000e+00, v5;
	v0 =	vadd.f32 v6, v0  }
0x76: {  	v6 =	vmul.f32 $8.000000000e+00, v9;
	v2 =	vadd.f32 v2, v4  }
0x77: {  	[tilespmem:s25+$0x14530] =	vst v0;
	v0 =	vadd.f32 v1, v5  }
0x78: {  	[tilespmem:s25+$0x14500] =	vst v2;
	v1 =	vadd.f32 v3, v6  }
0x79: {  	s28 =	simm.s32 @!p0 $0x7D00;
	s24 =	sadd.s32 s4, s24;
	[tilespmem:s25+$0x14510] =	vst v0  }
0x7a: {  	s24 =	smul.u32 $0x640, s24;
	s26 =	simm.s32 @!p0 $0x80;
	[tilespmem:s25+$0x14520] =	vst v1;
	s25 =	sadd.s32 @!p0 $0x35E8, s22  }
0x7b: {  	[tilespmem:s28], [sflag:$0x2] =	stream.indirect.gather @!p0 [hbm4b:s5+s26], $0x40, s25, s26, $0xb8;
	[tilespmem:$0x1DB00] =	vst v63  }
0x7c: {  	s25 =	sadd.s32 @!p0 $0x3668, s22;
	s26 =	simm.s32 @!p0 $0x48;
	s28 =	simm.s32 @!p0 $0x9D00  }
0x7d: {  	[tilespmem:s28], [sflag:$0x2] =	stream.indirect.gather @!p0 [hbm4b:s5+s26], $0x40, s25, s26, $0xb8;
	[tilespmem:$0x1DB00] =	vst v63  }
0x7e: {  	s24 =	sadd.s32 s2, s24  }
0x7f: {  	[hbm4b:s24+s3] =	stream.linear.scatter [tilespmem:s1], [sflag:$0x6], $0x3200, $0x38;
	[tilespmem:$0x1DB00] =	vst v63  }
0x80: {  	_ =	swait.ge [sflag:s0], $0x2000  }
0x81: {  	[sflag:s0] =	ssyncset.done $0x0  }
0x82: {  	[sflag:s0] =	ssyncadd.s32 $0xFFFFE000  }
0x83: {  	_ =	swait.ge [sflag:s0], $0x1200  }
0x84: {  	[sflag:s0] =	ssyncset.done $0x0  }
0x85: {  	s24 =	simm.s32 @!p1 $0x7;
	[sflag:s0] =	ssyncadd.s32 $0xFFFFEE00  }
0x86: {  	_ =	swait.ge @!p1 [sflag:s24], $0x3200  }
0x87: {  	[sflag:s24] =	ssyncset.done @!p1 $0x0  }
0x88: {  	s26 =	simm.s32 $0x0;
	[sflag:s24] =	ssyncadd.s32 @!p1 $0xFFFFCE00  }
0x89: {  	v3 =	vld [tilespmem:s26+$0xAF30]  }
0x8a: {  	v4 =	vld [tilespmem:s26+$0xAF00]  }
0x8b: {  	v6 =	vld [tilespmem:s26+$0x30]  }
0x8c: {  	v1 =	vld [tilespmem:s26+$0xAF10]  }
0x8d: {  	v0 =	vld [tilespmem:s26+$0xAF20]  }
0x8e: {  	v2 =	vld [tilespmem:s26+$0x0];
	v7 =	vmul.f32 $8.000000000e+00, v3  }
0x8f: {  	v3 =	vld [tilespmem:s26+$0x10]  }
0x90: {  	s25 =	simm.s32 $0x40;
	s28 =	simm.s32 $0x200;
	s24 =	sor.u32 $0x2, s23;
	v5 =	vmul.f32 $8.000000000e+00, v4;
	v4 =	vld [tilespmem:s26+$0x20];
	v6 =	vadd.f32 v6, v7  }
.LBB2_7:
0x91: {  	p2 =	sne.s32 s28, $0xC700;
	v7 =	vld [tilespmem:s25+$0xAF30];
	v8 =	vmul.f32 $8.000000000e+00, v1  }
0x92: {  	v9 =	vld [tilespmem:s25+$0xAF00];
	v10 =	vmul.f32 $8.000000000e+00, v0;
	[tilespmem:s26+$0x17730] =	vst v6  }
0x93: {  	v6 =	vld [tilespmem:s25+$0x30];
	v2 =	vadd.f32 v2, v5  }
.Ltmp2:
0x94: {  	v1 =	vld [tilespmem:s25+$0xAF10];
	v3 =	vadd.f32 v3, v8;
	(pc) =	sbr.rel @p2 .LBB2_7-.Ltmp2, $4  }
0x95: {  	v0 =	vld [tilespmem:s25+$0xAF20];
	[tilespmem:s26+$0x17700] =	vst v2;
	v4 =	vadd.f32 v4, v10  }
0x96: {  	v2 =	vld [tilespmem:s25+$0x0];
	v7 =	vmul.f32 $8.000000000e+00, v7;
	[tilespmem:s26+$0x17710] =	vst v3  }
0x97: {  	v5 =	vmul.f32 $8.000000000e+00, v9;
	v3 =	vld [tilespmem:s25+$0x10];
	[tilespmem:s26+$0x17720] =	vst v4;
	s26 =	smov.u32 s25  }
0x98: {  	s25 =	sshra.s32 s28, $0x2;
	s28 =	sadd.s32 $0x100, s28;
	v4 =	vld [tilespmem:s26+$0x20];
	v6 =	vadd.f32 v6, v7  }
0x99: {  	v7 =	vld [tilespmem:s25+$0xAF30]  }
0x9a: {  	v8 =	vld [tilespmem:s25+$0xAF00];
	v1 =	vmul.f32 $8.000000000e+00, v1;
	[tilespmem:s26+$0x17730] =	vst v6  }
0x9b: {  	v0 =	vmul.f32 $8.000000000e+00, v0;
	v6 =	vld [tilespmem:s25+$0x30];
	v2 =	vadd.f32 v2, v5  }
0x9c: {  	v5 =	vld [tilespmem:s25+$0xAF10];
	v1 =	vadd.f32 v3, v1  }
0x9d: {  	v9 =	vld [tilespmem:s25+$0xAF20];
	[tilespmem:s26+$0x17700] =	vst v2;
	v0 =	vadd.f32 v4, v0  }
0x9e: {  	v2 =	vld [tilespmem:s25+$0x0];
	[tilespmem:s26+$0x17710] =	vst v1  }
0x9f: {  	v1 =	vld [tilespmem:s25+$0x10];
	[tilespmem:s26+$0x17720] =	vst v0  }
0xa0: {  	v0 =	vmul.f32 $8.000000000e+00, v7;
	v3 =	vld [tilespmem:s25+$0x20]  }
0xa1: {  	v4 =	vmul.f32 $8.000000000e+00, v8  }
0xa2: {  	v5 =	vmul.f32 $8.000000000e+00, v5;
	v0 =	vadd.f32 v6, v0  }
0xa3: {  	v6 =	vmul.f32 $8.000000000e+00, v9;
	v2 =	vadd.f32 v2, v4  }
0xa4: {  	[tilespmem:s25+$0x17730] =	vst v0;
	v0 =	vadd.f32 v1, v5  }
0xa5: {  	[tilespmem:s25+$0x17700] =	vst v2;
	v1 =	vadd.f32 v3, v6  }
0xa6: {  	s28 =	simm.s32 @!p0 $0xAF00;
	s24 =	sadd.s32 s4, s24;
	[tilespmem:s25+$0x17710] =	vst v0  }
0xa7: {  	s24 =	smul.u32 $0x640, s24;
	s26 =	simm.s32 @!p0 $0x80;
	[tilespmem:s25+$0x17720] =	vst v1;
	s25 =	sadd.s32 @!p0 $0x36B0, s22  }
0xa8: {  	[tilespmem:s28], [sflag:$0x3] =	stream.indirect.gather @!p0 [hbm4b:s5+s26], $0x40, s25, s26, $0xb8;
	[tilespmem:$0x1DB00] =	vst v63  }
0xa9: {  	s25 =	sadd.s32 @!p0 $0x3730, s22;
	s26 =	simm.s32 @!p0 $0x48;
	s28 =	simm.s32 @!p0 $0xCF00  }
0xaa: {  	[tilespmem:s28], [sflag:$0x3] =	stream.indirect.gather @!p0 [hbm4b:s5+s26], $0x40, s25, s26, $0xb8;
	[tilespmem:$0x1DB00] =	vst v63  }
0xab: {  	s24 =	sadd.s32 s2, s24  }
0xac: {  	[hbm4b:s24+s3] =	stream.linear.scatter [tilespmem:s12], [sflag:$0x7], $0x3200, $0x38;
	[tilespmem:$0x1DB00] =	vst v63  }
0xad: {  	_ =	swait.ge [sflag:s14], $0x2000  }
0xae: {  	[sflag:s14] =	ssyncset.done $0x0  }
0xaf: {  	[sflag:s14] =	ssyncadd.s32 $0xFFFFE000  }
0xb0: {  	_ =	swait.ge [sflag:s14], $0x1200  }
0xb1: {  	[sflag:s14] =	ssyncset.done $0x0  }
0xb2: {  	s24 =	simm.s32 @!p1 $0x8;
	[sflag:s14] =	ssyncadd.s32 $0xFFFFEE00  }
0xb3: {  	_ =	swait.ge @!p1 [sflag:s24], $0x3200  }
0xb4: {  	[sflag:s24] =	ssyncset.done @!p1 $0x0  }
0xb5: {  	s25 =	simm.s32 $0x0;
	[sflag:s24] =	ssyncadd.s32 @!p1 $0xFFFFCE00  }
0xb6: {  	v3 =	vld [tilespmem:s25+$0xE130]  }
0xb7: {  	v4 =	vld [tilespmem:s25+$0xE100]  }
0xb8: {  	v6 =	vld [tilespmem:s25+$0x30]  }
0xb9: {  	v1 =	vld [tilespmem:s25+$0xE110]  }
0xba: {  	v0 =	vld [tilespmem:s25+$0xE120]  }
0xbb: {  	v2 =	vld [tilespmem:s25+$0x0];
	v7 =	vmul.f32 $8.000000000e+00, v3  }
0xbc: {  	v3 =	vld [tilespmem:s25+$0x10]  }
0xbd: {  	s23 =	sor.u32 $0x3, s23;
	s26 =	simm.s32 $0x200;
	s24 =	simm.s32 $0x40;
	v5 =	vmul.f32 $8.000000000e+00, v4;
	v4 =	vld [tilespmem:s25+$0x20];
	v6 =	vadd.f32 v6, v7  }
.LBB2_9:
0xbe: {  	p1 =	sne.s32 s26, $0xC700;
	v7 =	vld [tilespmem:s24+$0xE130];
	v8 =	vmul.f32 $8.000000000e+00, v1  }
0xbf: {  	v9 =	vld [tilespmem:s24+$0xE100];
	v10 =	vmul.f32 $8.000000000e+00, v0;
	[tilespmem:s25+$0x1A930] =	vst v6  }
0xc0: {  	v6 =	vld [tilespmem:s24+$0x30];
	v2 =	vadd.f32 v2, v5  }
.Ltmp3:
0xc1: {  	v1 =	vld [tilespmem:s24+$0xE110];
	v3 =	vadd.f32 v3, v8;
	(pc) =	sbr.rel @p1 .LBB2_9-.Ltmp3, $4  }
0xc2: {  	v0 =	vld [tilespmem:s24+$0xE120];
	[tilespmem:s25+$0x1A900] =	vst v2;
	v4 =	vadd.f32 v4, v10  }
0xc3: {  	v2 =	vld [tilespmem:s24+$0x0];
	v7 =	vmul.f32 $8.000000000e+00, v7;
	[tilespmem:s25+$0x1A910] =	vst v3  }
0xc4: {  	v5 =	vmul.f32 $8.000000000e+00, v9;
	v3 =	vld [tilespmem:s24+$0x10];
	[tilespmem:s25+$0x1A920] =	vst v4;
	s25 =	smov.u32 s24  }
0xc5: {  	s24 =	sshra.s32 s26, $0x2;
	s26 =	sadd.s32 $0x100, s26;
	v4 =	vld [tilespmem:s25+$0x20];
	v6 =	vadd.f32 v6, v7  }
0xc6: {  	v7 =	vld [tilespmem:s24+$0xE130]  }
0xc7: {  	v8 =	vld [tilespmem:s24+$0xE100];
	v1 =	vmul.f32 $8.000000000e+00, v1;
	[tilespmem:s25+$0x1A930] =	vst v6  }
0xc8: {  	v0 =	vmul.f32 $8.000000000e+00, v0;
	v6 =	vld [tilespmem:s24+$0x30];
	v2 =	vadd.f32 v2, v5  }
0xc9: {  	v57 =	vld [tilespmem:s24+$0xE110];
	v1 =	vadd.f32 v3, v1  }
0xca: {  	v9 =	vld [tilespmem:s24+$0xE120];
	[tilespmem:s25+$0x1A900] =	vst v2;
	v0 =	vadd.f32 v4, v0  }
0xcb: {  	v2 =	vld [tilespmem:s24+$0x0];
	[tilespmem:s25+$0x1A910] =	vst v1  }
0xcc: {  	v1 =	vld [tilespmem:s24+$0x10];
	[tilespmem:s25+$0x1A920] =	vst v0  }
0xcd: {  	v58 =	vmul.f32 $8.000000000e+00, v7;
	v59 =	vld [tilespmem:s24+$0x20]  }
0xce: {  	v60 =	vmul.f32 $8.000000000e+00, v8  }
0xcf: {  	v0 =	vadd.f32 v6, v58;
	v5 =	vmul.f32 $8.000000000e+00, v57  }
0xd0: {  	v61 =	vmul.f32 $8.000000000e+00, v9;
	v2 =	vadd.f32 v2, v60  }
0xd1: {  	[tilespmem:s24+$0x1A930] =	vst v0;
	v62 =	vadd.f32 v1, v5  }
0xd2: {  	[tilespmem:s24+$0x1A900] =	vst v2;
	v63 =	vadd.f32 v59, v61  }
0xd3: {  	s26 =	simm.s32 @!p0 $0xE100;
	[tilespmem:s24+$0x1A910] =	vst v62  }
0xd4: {  	s21 =	sadd.s32 $0x1, s21;
	s25 =	simm.s32 @!p0 $0x80;
	[tilespmem:s24+$0x1A920] =	vst v63;
	s24 =	sadd.s32 @!p0 $0x3778, s22  }
0xd5: {  	[tilespmem:s26], [sflag:$0x4] =	stream.indirect.gather @!p0 [hbm4b:s5+s25], $0x40, s24, s25, $0xb8;
	[tilespmem:$0x1DB00] =	vst v63  }
0xd6: {  	s22 =	sadd.s32 @!p0 $0x37F8, s22;
	s24 =	simm.s32 @!p0 $0x48;
	s25 =	simm.s32 @!p0 $0x10100  }
0xd7: {  	[tilespmem:s25], [sflag:$0x4] =	stream.indirect.gather @!p0 [hbm4b:s5+s24], $0x40, s22, s24, $0xb8;
	[tilespmem:$0x1DB00] =	vst v63  }
0xd8: {  	p0 =	sne.s32 s21, $0x8  }
.Ltmp4:
0xd9: {  	s23 =	sadd.s32 s4, s23;
	(pc) =	sbr.rel @p0 .LBB2_2-.Ltmp4, $3  }
0xda: {  	s23 =	smul.u32 $0x640, s23;
	_ =	sdelay $0x1  }
0xdb: {  	s28 =	sadd.s32 s2, s23  }
0xdc: {  	[hbm4b:s28+s3] =	stream.linear.scatter [tilespmem:s15], [sflag:$0x8], $0x3200, $0x38;
	[tilespmem:$0x1DB00] =	vst v63  }
0xdd: {  	_ =	swait.ge [sflag:s16], $0x3200  }
0xde: {  	[sflag:s16] =	ssyncset.done $0x0  }
0xdf: {  	[sflag:s16] =	ssyncadd.s32 $0xFFFFCE00  }
0xe0: {  	_ =	swait.ge [sflag:s17], $0x3200  }
0xe1: {  	[sflag:s17] =	ssyncset.done $0x0  }
0xe2: {  	s20 =	sadd.s32 $0x1, s20;
	[sflag:s17] =	ssyncadd.s32 $0xFFFFCE00  }
0xe3: {  	p0 =	sne.s32 s20, s8;
	_ =	swait.ge [sflag:s18], $0x3200  }
.Ltmp5:
0xe4: {  	[sflag:s18] =	ssyncset.done $0x0;
	(pc) =	sbr.rel @p0 .LBB2_1-.Ltmp5, $4  }
0xe5: {  	[sflag:s18] =	ssyncadd.s32 $0xFFFFCE00  }
0xe6: {  	_ =	swait.ge [sflag:s19], $0x3200  }
0xe7: {  	[sflag:s19] =	ssyncset.done $0x0  }
0xe8: {  	[sflag:s19] =	ssyncadd.s32 $0xFFFFCE00  }
0xe9: {  	_ =	sfence.sel $0x180000  }
0xea: {  	[bflag:$0x0] =	sbarrier.arrive $0xFFFF  }
0xeb: {  	_ =	strace $0x90000047  }
0xec: {  	s0 =	stileid.u32;
	[bflag:$0x2] =	sbarrier.arrive $0xFFFF  }
0xed: {  	p0 =	sne.s32 s0, $0x0;
	s0 =	rddreg [dreg:$0x2]  }
0xee: {  	s0 =	sadd.s32 @!p0 $0x100000, s0  }
0xef: {  	[sflag:s0] =	ssyncadd.tile.s32 @!p0 $0x1;
	_ =	shalt  }
.Lfunc_end2:
_tile_overlayer_lowered:
.L_overlay_start_2:
0xf0: {  	(tag) =	ssettag $0x2  }
0xf1: {  	s0 =	rddreg [dreg:$0x0];
	s2 =	stileid.u32  }
0xf2: {  	s1 =	rddreg [dreg:$0x1];
	p0 =	sne.s32 s2, $0x0  }
0xf3: {  	s3 =	rddreg [dreg:$0x2];
	[bflag:$0x3] =	sbarrier.arrive $0xFFFF;
	s2 =	simm.s32 @!p0 $0x1C09  }
0xf4: {  	[timem:s3], [sflag:s2] =	dma.local @!p0 [hbm:s0], s1  }
0xf5: {  	s0 =	simm.s32 @!p0 $0x9  }
0xf6: {  	_ =	swait.ge @!p0 [sflag:s0], s1  }
0xf7: {  	s1 =	ssub.s32 @!p0 $0x0, s1;
	[sflag:s0] =	ssyncset.done @!p0 $0x0  }
0xf8: {  	[sflag:s0] =	ssyncadd.s32 @!p0 s1  }
0xf9: {  	[bflag:$0x3] =	sbarrier.arrive $0xFFFF  }
0xfa: {  	_ =	shalt  }

// kernel: sparse-core-data-format-call.cloned.1.call-start
scs
called_computation_lowered:
.L_overlay_start_0:
0x0: {  	s2 =	sld [smem:$0x3FD9]  }
0x1: {  	s3 =	sld [smem:$0x3FFE];
	_ =	sdelay $0x1  }
0x2: {  	s1 =	srdreg.scid  }
0x3: {  	s0 =	sand.u32 $0x1, s1  }
0x4: {  	s18 =	sshll.u32 s0, $0xA;
	s2 =	sadd.s32 s3, s2  }
0x5: {  	s2 =	sadd.s32 s2, s18  }
0x6: {  	[smem:$0x3FC5] =	sst s2  }
0x7: {  	_ = 	snop  }
0x8: {  	s2 =	sld [smem:$0x3FD0];
	(tm) =	ssettm $0x1  }
0x9: {  	s19 =	sld [smem:$0x3FFB];
	_ =	sdelay $0x3  }
0xa: {  	_ =	strace s19  }
0xb: {  	s3 =	sld [smem:$0x3FFC];
	_ =	sdelay $0x3  }
0xc: {  	_ =	strace s3  }
0xd: {  	s3 =	sld [smem:$0x3FFD];
	_ =	sdelay $0x3  }
0xe: {  	_ =	strace s3  }
0xf: {  	_ =	strace $0x8FFFFFFF  }
0x10: {  	s20 =	sld [smem:$0x3FDB];
	_ =	sdelay $0x1  }
0x11: {  	s4 =	simm.s32 $_scs_section_size  }
0x12: {  	s5 =	simm.s32 $_size__tile_overlayer_lowered;
	s6 =	simm.s32 $_tile_overlayer_lowered  }
0x13: {  	s23 =	simm.s32 $0x1BFF;
	s22 =	sshll.u32 s6, $0x1;
	s3 =	sadd.s32 s4, s20  }
0x14: {  	s7 =	simm.s32 $0x0;
	s21 =	sshll.u32 s5, $0x1;
	s5 =	sadd.s32 s22, s3  }
0x15: {  	[timem:s7], [sflag:s23] =	dma.local [hbm:s5], s21  }
0x16: {  	_ =	swait.ge [sflag:s23], s21  }
0x17: {  	s4 =	ssub.s32 $0x0, s21;
	[sflag:s23] =	ssyncset.done $0x0  }
0x18: {  	[sflag:s23] =	ssyncadd.s32 s4;
	_ =	sdelay $0x1  }
0x19: {  	s24 =	simm.s32 $0x1B8B  }
0x1a: {  	_ =	swait.ge [sflag:s24], $0x1  }
0x1b: {  	[sflag:s24] =	ssyncset.done $0x0  }
0x1c: {  	s26 =	simm.s32 $0x1B8E;
	s25 =	sld [smem:$0x3FFE];
	[sflag:s24] =	ssyncadd.s32 $0xFFFFFFFF  }
0x1d: {  	s27 =	simm.s32 $execute0_lowered;
	[smem:$0x3FD2] =	sst s26  }
0x1e: {  	s5 =	sshll.u32 s27, $0x1;
	_ =	strace $0x80000049;
	[dreg:$0x1] =	wrdreg $0xFFFFFFFF  }
0x1f: {  	s28 =	simm.s32 $_size_execute0_lowered;
	s3 =	sadd.s32 s3, s5;
	[dreg:$0x0] =	wrdreg $0x0  }
0x20: {  	s5 =	sshll.u32 s28, $0x1;
	[dreg:$0x2] =	wrdreg s3  }
0x21: {  	[dreg:$0x3] =	wrdreg s5  }
0x22: {  	[dreg:$0x4] =	wrdreg $0xC0  }
0x23: {  	_ =	task [dreg:s7], $0x5FFFF  }
0x24: {  	[dreg:$0x1] =	wrdreg $0xFFFFFFFF  }
0x25: {  	[dreg:$0x0] =	wrdreg $0x60  }
0x26: {  	[dreg:$0x2] =	wrdreg s25  }
0x27: {  	[dreg:$0x3] =	wrdreg s2  }
0x28: {  	[dreg:$0x4] =	wrdreg $0x9  }
0x29: {  	_ =	task.clear_ibuf [dreg:s7], $0x5FFFF;
	_ =	strace $0x90000049  }
0x2a: {  	s29 =	simm.s32 $0x9;
	_ =	strace $0x8000004B  }
0x2b: {  	_ =	swait.ge [sflag:s29], $0x1  }
0x2c: {  	[sflag:s29] =	ssyncadd.s32 $0xFFFFFFFF  }
0x2d: {  	_ =	strace $0x9000004B  }
0x2e: {  	_ =	sfence  }
0x2f: {  	s30 =	sld [smem:$0x0];
	_ =	sdelay $0x2  }
0x30: {  	s31 =	sshll.u32 s1, $0xD;
	s1 =	sshrl.u32 s1, $0x2  }
0x31: {  	s3 =	sand.u32 $0x4000, s31;
	s1 =	sadd.s32 s1, s30  }
0x32: {  	s0 =	sor.u32 s3, s0;
	s1 =	sshll.u32 s1, $0x11  }
0x33: {  	s0 =	sor.u32 s1, s0  }
0x34: {  	s0 =	sadd.s32 $0x8F2B, s0  }
0x35: {  	[sflag:s0] =	ssyncadd.remote.s32 $0x1  }
0x36: {  	_ =	sfence.sel $0xFFFF  }
0x37: {  	[dreg:$0x0] =	wrdreg $0xFFFFFFFF;
	(pc) =	sbr.abs _section_cstart, $3  }
0x38: {  	[dreg:$0x1] =	wrdreg $0xFFFFFFFF  }
0x39: {  	_ =	task.clear_ibuf [dreg:s7], $0x2FFFF;
	_ =	strace $0x9FFFFFFF  }
0x3a: {  	(tm) =	ssettm $0x7FFFFFFF  }
0x3b: {  	_ =	shalt  }
tec
execute0_lowered:
.L_overlay_start_1:
0x0: {  	(tag) =	ssettag $0x1  }
0x1: {  	s0 =	stileid.u32;
	s6 =	rddreg [dreg:$0x0]  }
0x2: {  	s2 =	rddreg [dreg:$0x1];
	s5 =	srdreg.scid  }
0x3: {  	s31 =	simm.s32 $0x2;
	s13 =	simm.s32 $0x0;
	s1 =	sshll.u32 s0, $0x7  }
0x4: {  	s14 =	simm.s32 $0x0;
	s12 =	simm.s32 $0x0;
	s3 =	sand.u32 $0x380, s1  }
0x5: {  	s5 =	sshll.u32 s5, $0x4;
	s6 =	sadd.s32 $0xE00, s6;
	s4 =	ssub.s32 $0x400, s3  }
0x6: {  	s1 =	rddreg [dreg:$0x2];
	_ =	strace $0x8000004A;
	s7 =	sand.u32 $0x380, s4  }
0x7: {  	s5 =	sand.u32 $0x10, s5;
	p0 =	sne.s32 s7, $0x0;
	s7 =	simm.s32 $0x1  }
.Ltmp0:
0x8: {  	s8 =	sshrl.u32 s4, $0xA;
	s7 =	simm.s32 @!p0 $0x0;
	(pc) =	sbr.rel .LBB1_1-.Ltmp0, $4  }
0x9: {  	s9 =	sor.u32 s0, s5;
	s4 =	simm.s32 $0x1;
	s30 =	sadd.s32 s7, s8  }
0xa: {  	s11 =	smov.u32 s3;
	[sflag:s4] =	ssyncpa.u1 $0x0;
	s5 =	smul.u32 $0x32, s30  }
0xb: {  	[sflag:s31] =	ssyncpa.u1 $0x0;
	p0 =	por $0x0, $0x0;
	s7 =	sshrl.u32 s9, $0x3  }
0xc: {  	s9 =	simm.s32 $0x2000;
	s10 =	smov.u32 s7;
	s8 =	sor.u32 $0x1, s5  }
.LBB1_4:
0xd: {  	s17 =	sand.u32 $0x1F80, s14;
	s13 =	sshll.u32 s13, $0xD  }
0xe: {  	[tilespmem:s16+$0x810 ss:$0x81] =	vst.msk $0xffff, v2;
	s18 =	sshrl.u32 s14, $0x3;
	s31 =	sand.u32 $0x7, s14;
	s17 =	sadd.s32 s2, s17  }
0xf: {  	[tilespmem:s16+$0x1020 ss:$0x81] =	vst.msk $0xffff, v0;
	s18 =	sand.u32 $0xF, s18;
	s14 =	sshll.u32 s31, $0x12;
	s13 =	sadd.s32 s13, s17  }
0x10: {  	[tilespmem:s16+$0x0 ss:$0x81] =	vst.msk $0xffff, v1;
	s14 =	sor.u32 $0x400, s14;
	s13 =	sadd.s32 s18, s13  }
0x11: {  	[hbm4b:s13+s14] =	stream.strided.scatter [tilespmem:s15], [sflag:$0x2], $0x2000, s9, s14, $0x20;
	[tilespmem:$0x8080] =	vst v63  }
.LBB1_5:
0x12: {  	s15 =	sadd.s32 $0x4, s10  }
0x13: {  	s13 =	sadd.s32 $0x400, s11;
	s17 =	smov.u32 s11;
	p2 =	sgt.s32 s15, $0xC7  }
0x14: {  	s17 =	smov.u32 @p2 s13  }
0x15: {  	s15 =	smov.u32 @p2 s7;
	p2 =	sgt.s32 s17, $0x3FF  }
0x16: {  	s17 =	smov.u32 @p2 s3;
	p2 =	sne.s32 s12, s8  }
.Ltmp1:
0x17: {  	p1 =	slt.u32 s12, $0x2;
	(pc) =	sbr.rel @!p2 .LBB1_6-.Ltmp1, $4  }
0x18: {  	s16 =	simm.s32 @!p1 $0x2  }
0x19: {  	s14 =	smov.u32 s11;
	p0 =	por !p0, !p0;
	_ =	swait.ge @!p1 [sflag:s16], $0x2000  }
0x1a: {  	s13 =	smov.u32 s10;
	[sflag:s16] =	ssyncset.done @!p1 $0x0;
	s10 =	smov.u32 s15  }
0x1b: {  	s12 =	sadd.s32 $0x1, s12;
	[sflag:s16] =	ssyncadd.s32 @!p1 $0xFFFFE000;
	s11 =	smov.u32 s17  }
.LBB1_1:
0x1c: {  	p1 =	sge.u32 s12, s5  }
0x1d: {  	s15 =	sand.u32 @!p1 $0x1FFFFFF, s10  }
0x1e: {  	s16 =	smulhi.u32 @!p1 $0x147AE15, s15;
	_ =	sdelay $0x1  }
0x1f: {  	s16 =	smul.u32 @!p1 $0xC8, s16  }
0x20: {  	s17 =	sxor.u32 @!p1 $0xFFFFFFFF, s12;
	s18 =	smul.u32 @!p1 $0xC80, s11  }
0x21: {  	s31 =	sadd.s32 $0xFFFFFFFF, s12;
	s17 =	sshll.u32 @!p1 s17, $0xD;
	s15 =	ssub.s32 @!p1 s15, s16  }
0x22: {  	s16 =	sand.u32 @!p1 $0x2000, s17;
	s17 =	sadd.s32 @!p1 s6, s18;
	s15 =	sshll.u32 @!p1 s15, $0x4  }
0x23: {  	s18 =	simm.s32 @!p1 $0x6400;
	s15 =	sadd.s32 @!p1 s15, s17;
	s17 =	simm.s32 @!p1 $0x40  }
0x24: {  	[tilespmem:s16], [sflag:$0x1] =	stream.strided.gather @!p1 [hbm4b:s15+s17], $0x2000, s18, s17, $0x38;
	[tilespmem:$0x8080] =	vst v63  }
0x25: {  	p1 =	sge.u32 s31, s5  }
.Ltmp2:
0x26: {  	_ = 	snop;
	(pc) =	sbr.rel @p1 .LBB1_5-.Ltmp2, $1  }
0x27: {  	_ =	sdelay $0x3  }
0x28: {  	s15 =	simm.s32 $0x1  }
0x29: {  	_ =	swait.ge [sflag:s4], $0x2000;
	s15 =	simm.s32 @!p0 $0x0  }
0x2a: {  	[sflag:s4] =	ssyncset.done $0x0;
	s16 =	sshll.u32 s15, $0xD  }
0x2b: {  	[sflag:s4] =	ssyncadd.s32 $0xFFFFE000;
	s19 =	sor.u32 $0x20, s16  }
0x2c: {  	s15 =	smul.u32 $0x8100, s15;
	v3 =	vld [tilespmem:s19+$0x10]  }
0x2d: {  	s30 =	sand.u32 $0x1, s12;
	v2 =	vld [tilespmem:s19+$0xFFFFFFF0]  }
0x2e: {  	s16 =	smul.u32 $0x8100, s30;
	s15 =	sshrl.u32 s15, $0x2;
	v0 =	vld [tilespmem:s19+$0x0]  }
0x2f: {  	v1 =	vld [tilespmem:s19+$0xFFFFFFE0];
	s17 =	sor.u32 $0x4000, s15  }
0x30: {  	s31 =	sshrl.u32 s16, $0x2;
	s16 =	sadd.s32 $0x0, s17  }
0x31: {  	s18 =	simm.s32 $0x4;
	s19 =	sadd.s32 $0x40, s19;
	s15 =	sor.u32 $0x4000, s31;
	[tilespmem:s16+$0x1830 ss:$0x81] =	vst.msk $0xffff, v3  }
.LBB1_3:
0x32: {  	v3 =	vld [tilespmem:s19+$0x10];
	p1 =	sne.s32 s18, $0x1FC;
	[tilespmem:s16+$0x810 ss:$0x81] =	vst.msk $0xffff, v2;
	s20 =	smov.u32 s18;
	s18 =	sadd.s32 $0x4, s18  }
.Ltmp3:
0x33: {  	v2 =	vld [tilespmem:s19+$0xFFFFFFF0];
	[tilespmem:s16+$0x1020 ss:$0x81] =	vst.msk $0xffff, v0;
	(pc) =	sbr.rel @p1 .LBB1_3-.Ltmp3, $4  }
0x34: {  	v0 =	vld [tilespmem:s19+$0x0];
	[tilespmem:s16+$0x0 ss:$0x81] =	vst.msk $0xffff, v1  }
0x35: {  	s16 =	sshra.s32 s20, $0x2;
	v1 =	vld [tilespmem:s19+$0xFFFFFFE0]  }
0x36: {  	s16 =	sadd.s32 s16, s17  }
0x37: {  	s19 =	sadd.s32 $0x40, s19;
	[tilespmem:s16+$0x1830 ss:$0x81] =	vst.msk $0xffff, v3  }
.Ltmp4:
0x38: {  	_ = 	snop;
	(pc) =	sbr.rel .LBB1_4-.Ltmp4, $1  }
0x39: {  	_ =	sdelay $0x3  }
.LBB1_6:
0x3a: {  	_ =	sfence.sel $0x180000  }
0x3b: {  	s2 =	simm.s32 $0x1;
	[bflag:$0x0] =	sbarrier.arrive $0xFFFF  }
0x3c: {  	s31 =	simm.s32 $0x2;
	[sflag:s2] =	ssyncpa.u1 $0x1  }
0x3d: {  	[sflag:s31] =	ssyncpa.u1 $0x1  }
0x3e: {  	p0 =	sne.s32 s0, $0x0;
	_ =	strace $0x9000004A  }
0x3f: {  	s0 =	sadd.s32 @!p0 $0x100000, s1;
	[bflag:$0x2] =	sbarrier.arrive $0xFFFF  }
0x40: {  	[sflag:s0] =	ssyncadd.tile.s32 @!p0 $0x1;
	_ =	shalt  }
.Lfunc_end1:
_tile_overlayer_lowered:
.L_overlay_start_2:
0x41: {  	(tag) =	ssettag $0x2  }
0x42: {  	s0 =	rddreg [dreg:$0x0];
	s2 =	stileid.u32  }
0x43: {  	s1 =	rddreg [dreg:$0x1];
	p0 =	sne.s32 s2, $0x0  }
0x44: {  	s3 =	rddreg [dreg:$0x2];
	[bflag:$0x3] =	sbarrier.arrive $0xFFFF;
	s2 =	simm.s32 @!p0 $0x1C01  }
0x45: {  	[timem:s3], [sflag:s2] =	dma.local @!p0 [hbm:s0], s1  }
0x46: {  	s0 =	simm.s32 @!p0 $0x1  }
0x47: {  	_ =	swait.ge @!p0 [sflag:s0], s1  }
0x48: {  	s1 =	ssub.s32 @!p0 $0x0, s1;
	[sflag:s0] =	ssyncset.done @!p0 $0x0  }
0x49: {  	[sflag:s0] =	ssyncadd.s32 @!p0 s1  }
0x4a: {  	[bflag:$0x3] =	sbarrier.arrive $0xFFFF  }
0x4b: {  	_ =	shalt  }

</sc_bundles>
